<compile_context>
chip_gen: v7x
topology: tpu7x:2x2x1
jax: 0.10.2.dev20260603
libtpu: 0.0.44.dev20260713+nightly
codegen_flags: <defaults>
</compile_context>

<pallas_src>
import functools

import jax
import jax.numpy as jnp
from jax import lax
from jax.experimental import pallas as pl
from jax.experimental.pallas import tpu as pltpu
from jax.experimental.pallas import tpu_sc as plsc

_WORD_DIM = 50
_POS_DIM = 5
_OUT_DIM = 60
_PAD_DIM = 64
_CPY_DIM = 56
_NC, _NSUB = 2, 16
_NW = _NC * _NSUB
_TB = 512
_IB = 128


@functools.lru_cache(maxsize=None)
def _build(n_rows: int, pos_vocab: int, half: int, n_halves: int):
    n_half_rows = n_rows // n_halves
    n_blk = _TB // _IB
    rw = n_half_rows // _NW
    n_chunk = rw // _TB
    assert rw * _NW == n_half_rows and n_chunk * _TB == rw

    mesh = plsc.VectorSubcoreMesh(
        core_axis_name="c", subcore_axis_name="s",
        num_cores=_NC, num_subcores=_NSUB)

    tail_w = _OUT_DIM - _CPY_DIM

    @functools.partial(
        pl.kernel,
        out_type=jax.ShapeDtypeStruct((n_rows, _OUT_DIM), jnp.float32),
        mesh=mesh,
        compiler_params=pltpu.CompilerParams(
            needs_layout_passes=False, use_tc_tiling_on_sc=False),
        scratch_types=[
            pltpu.VMEM((n_blk, _IB), jnp.int32),
            pltpu.VMEM((n_blk, _IB), jnp.int32),
            pltpu.VMEM((_TB,), jnp.int32),
            pltpu.VMEM((_TB,), jnp.int32),
            pltpu.VMEM((_TB,), jnp.int32),
            pltpu.VMEM((_TB,), jnp.int32),
            pltpu.VMEM((_TB, _PAD_DIM), jnp.float32),
            pltpu.VMEM((_TB, _PAD_DIM), jnp.float32),
            pltpu.VMEM((_TB, tail_w), jnp.float32),
            pltpu.VMEM((_TB, tail_w), jnp.float32),
            pltpu.VMEM((pos_vocab * _POS_DIM,), jnp.float32),
            pltpu.VMEM((pos_vocab * _POS_DIM,), jnp.float32),
            pltpu.SemaphoreType.DMA,
            pltpu.SemaphoreType.DMA,
            pltpu.SemaphoreType.DMA,
            pltpu.SemaphoreType.DMA,
            pltpu.SemaphoreType.DMA,
            pltpu.SemaphoreType.DMA,
        ],
    )
    def sc_embed(wpad, tok2, hflat, tflat, htab, ttab, out,
                 tok_a, tok_b, h_a, h_b, t_a, t_b,
                 word_a, word_b, tail_a, tail_b, htab_v, ttab_v,
                 gsem_a, gsem_b, wsem_a, wsem_b, isem_a, isem_b):
        wid = lax.axis_index("s") * _NC + lax.axis_index("c")
        pltpu.sync_copy(htab, htab_v)
        pltpu.sync_copy(ttab, ttab_v)
        blk0 = (half * n_half_rows) // _IB + wid * (rw // _IB)

        def idx_copies(c, tok_v, h_v, t_v, isem):
            blk = blk0 + c * n_blk
            row0 = blk * _IB
            return (
                (tok2.at[pl.ds(blk, n_blk)], tok_v, isem),
                (hflat.at[pl.ds(row0, _TB)], h_v, isem),
                (tflat.at[pl.ds(row0, _TB)], t_v, isem),
            )

        def fire_idx(c, tok_v, h_v, t_v, isem):
            for src, dst, sm in idx_copies(c, tok_v, h_v, t_v, isem):
                pltpu.async_copy(src, dst, sm)

        def wait_idx(c, tok_v, h_v, t_v, isem):
            for src, dst, sm in idx_copies(c, tok_v, h_v, t_v, isem):
                pltpu.make_async_copy(src, dst, sm).wait()

        def fire_gather(tok_v, word_v, gsem):
            for j in range(n_blk):
                pltpu.async_copy(wpad.at[tok_v.at[j]],
                                 word_v.at[pl.ds(j * _IB, _IB)], gsem)

        def wait_gather(tok_v, word_v, gsem):
            for j in range(n_blk):
                pltpu.make_async_copy(
                    wpad.at[tok_v.at[j]],
                    word_v.at[pl.ds(j * _IB, _IB)], gsem).wait()

        def fill(h_v, t_v, word_v, tail_v):
            def one(i):
                h5 = h_v[pl.ds(i * 16, 16)] * _POS_DIM
                t5 = t_v[pl.ds(i * 16, 16)] * _POS_DIM
                rows = i * 16 + lax.iota(jnp.int32, 16)
                for d in range(_POS_DIM):
                    hv = plsc.load_gather(htab_v, [h5 + d])
                    plsc.store_scatter(
                        word_v,
                        [rows, jnp.full((16,), _WORD_DIM + d, jnp.int32)], hv)
                for d in range(_POS_DIM):
                    tv = plsc.load_gather(ttab_v, [t5 + d])
                    if d == 0:
                        plsc.store_scatter(
                            word_v,
                            [rows,
                             jnp.full((16,), _WORD_DIM + _POS_DIM, jnp.int32)],
                            tv)
                    else:
                        plsc.store_scatter(
                            tail_v,
                            [rows, jnp.full((16,), d - 1, jnp.int32)], tv)

            def body(k, _):
                one(k * 2)
                one(k * 2 + 1)
                return 0

            lax.fori_loop(0, _TB // 32, body, 0)

        def out_slices(c):
            row0 = (blk0 + c * n_blk) * _IB
            return (out.at[pl.ds(row0, _TB), pl.ds(0, _CPY_DIM)],
                    out.at[pl.ds(row0, _TB), pl.ds(_CPY_DIM, tail_w)])

        def fire_write(c, word_v, tail_v, wsem):
            main_dst, tail_dst = out_slices(c)
            pltpu.async_copy(word_v.at[:, pl.ds(0, _CPY_DIM)], main_dst, wsem)
            pltpu.async_copy(tail_v, tail_dst, wsem)

        def wait_write(c, word_v, tail_v, wsem):
            main_dst, tail_dst = out_slices(c)
            pltpu.make_async_copy(
                word_v.at[:, pl.ds(0, _CPY_DIM)], main_dst, wsem).wait()
            pltpu.make_async_copy(tail_v, tail_dst, wsem).wait()

        bufs = (
            (tok_a, h_a, t_a, word_a, tail_a, gsem_a, wsem_a, isem_a),
            (tok_b, h_b, t_b, word_b, tail_b, gsem_b, wsem_b, isem_b),
        )

        fire_idx(0, tok_a, h_a, t_a, isem_a)
        wait_idx(0, tok_a, h_a, t_a, isem_a)
        fire_gather(tok_a, word_a, gsem_a)
        fire_idx(1, tok_b, h_b, t_b, isem_b)

        def stage(c, cur, nxt):
            tok_c, h_c, t_c, word_c, tail_c, gsem_c, wsem_c, isem_c = cur
            tok_n, h_n, t_n, word_n, tail_n, gsem_n, wsem_n, isem_n = nxt

            has_next = c + 1 < n_chunk

            wait_gather(tok_c, word_c, gsem_c)

            @pl.when(has_next)
            def _():
                @pl.when(c >= 1)
                def _():
                    wait_write(c - 1, word_n, tail_n, wsem_n)
                wait_idx(c + 1, tok_n, h_n, t_n, isem_n)
                fire_gather(tok_n, word_n, gsem_n)

            fill(h_c, t_c, word_c, tail_c)
            fire_write(c, word_c, tail_c, wsem_c)

            @pl.when(c + 2 < n_chunk)
            def _():
                fire_idx(c + 2, tok_c, h_c, t_c, isem_c)

        def pair(k, _):
            c = k * 2
            stage(c, bufs[0], bufs[1])
            stage(c + 1, bufs[1], bufs[0])
            return 0

        lax.fori_loop(0, n_chunk // 2, pair, 0)
        if n_chunk % 2:
            stage(n_chunk - 1, bufs[0], bufs[1])
        last, prev = bufs[(n_chunk - 1) % 2], bufs[(n_chunk - 2) % 2]
        wait_write(n_chunk - 2, prev[3], prev[4], prev[6])
        wait_write(n_chunk - 1, last[3], last[4], last[6])

    return sc_embed


def kernel(token, h_pos, t_pos, word_emb, h_pos_emb, t_pos_emb):
    b, ns, l = token.shape
    n_rows = b * ns * l
    vocab = word_emb.shape[0]
    pos_vocab = h_pos_emb.shape[0]

    wpad = jnp.concatenate(
        [word_emb, jnp.zeros((vocab, _PAD_DIM - _WORD_DIM), jnp.float32)],
        axis=1)
    tok2 = token.reshape(n_rows // _IB, _IB)
    hflat = h_pos.reshape(n_rows)
    tflat = t_pos.reshape(n_rows)
    htabf = h_pos_emb.reshape(-1)
    ttabf = t_pos_emb.reshape(-1)

    out = _build(n_rows, pos_vocab, 0, 1)(
        wpad, tok2, hflat, tflat, htabf, ttabf)
    return out.reshape(b, ns, l, _OUT_DIM)

# --- scband reference (transcript-rebuilt; emitter-appended) ---
"""Pipeline reference for scband-embedding-47150150975488 (READ-ONLY COPY).

The authoritative reference and input builder live on the scoring server;
editing this copy changes nothing except your own understanding.
"""

import jax, jax.numpy as jnp
import numpy as np

VOCAB = 100000
WORD_DIM = 50
MAX_LEN = 200
POS_VOCAB = 2 * MAX_LEN
POS_DIM = 5
B, NS, L = 1024, 4, 200


def setup_inputs(seed: int = 0) -> dict:
    key = jax.random.key(seed)
    k1, k2, k3, k4, k5, k6 = jax.random.split(key, 6)
    token = jax.random.randint(k1, (B, NS, L), 0, VOCAB, dtype=jnp.int32)
    h_pos = jax.random.randint(k2, (B, NS, L), 0, POS_VOCAB, dtype=jnp.int32)
    t_pos = jax.random.randint(k3, (B, NS, L), 0, POS_VOCAB, dtype=jnp.int32)
    # word embedding table (loaded from word_emb_path in the original; padding_idx = VOCAB-1)
    word_emb = jax.random.normal(k4, (VOCAB, WORD_DIM), dtype=jnp.float32)
    # position embedding tables, padding_idx = 0 -> zero row
    h_pos_emb = jax.random.normal(k5, (POS_VOCAB, POS_DIM), dtype=jnp.float32)
    h_pos_emb = h_pos_emb.at[0].set(0.0)
    t_pos_emb = jax.random.normal(k6, (POS_VOCAB, POS_DIM), dtype=jnp.float32)
    t_pos_emb = t_pos_emb.at[0].set(0.0)
    return {
        "token": token,
        "h_pos": h_pos,
        "t_pos": t_pos,
        "word_emb": word_emb,
        "h_pos_emb": h_pos_emb,
        "t_pos_emb": t_pos_emb,
    }


def reference(token, h_pos, t_pos, word_emb, h_pos_emb, t_pos_emb):
    w = jnp.take(word_emb, token, axis=0)       # [B, NS, L, WORD_DIM]
    h = jnp.take(h_pos_emb, h_pos, axis=0)      # [B, NS, L, POS_DIM]
    t = jnp.take(t_pos_emb, t_pos, axis=0)      # [B, NS, L, POS_DIM]
    x = jnp.concatenate([w, h, t], axis=3)      # [B, NS, L, WORD_DIM + 2*POS_DIM]
    return x

if __name__ == "__main__":
    import jax
    _d = setup_inputs()
    print(jax.jit(kernel)(*tuple(_d.values())))

</pallas_src>

<mosaic_0001>
#map = affine_map<(d0, d1) -> (0, 0)>
#map1 = affine_map<(d0, d1) -> (0)>
module attributes {stable_mosaic.version = 14 : i64} {
  func.func @sc_embed(%arg0: i32, %arg1: i32, %arg2: memref<100000x64xf32, #tpu.memory_space<hbm>>, %arg3: memref<6400x128xi32, #tpu.memory_space<hbm>>, %arg4: memref<819200xi32, #tpu.memory_space<hbm>>, %arg5: memref<819200xi32, #tpu.memory_space<hbm>>, %arg6: memref<2000xf32, #tpu.memory_space<hbm>>, %arg7: memref<2000xf32, #tpu.memory_space<hbm>>, %arg8: memref<819200x60xf32, #tpu.memory_space<hbm>>, %arg9: memref<4x128xi32, #tpu.memory_space<vmem>>, %arg10: memref<4x128xi32, #tpu.memory_space<vmem>>, %arg11: memref<512xi32, #tpu.memory_space<vmem>>, %arg12: memref<512xi32, #tpu.memory_space<vmem>>, %arg13: memref<512xi32, #tpu.memory_space<vmem>>, %arg14: memref<512xi32, #tpu.memory_space<vmem>>, %arg15: memref<512x64xf32, #tpu.memory_space<vmem>>, %arg16: memref<512x64xf32, #tpu.memory_space<vmem>>, %arg17: memref<512x4xf32, #tpu.memory_space<vmem>>, %arg18: memref<512x4xf32, #tpu.memory_space<vmem>>, %arg19: memref<2000xf32, #tpu.memory_space<vmem>>, %arg20: memref<2000xf32, #tpu.memory_space<vmem>>, %arg21: memref<!tpu.dma_semaphore, #tpu.memory_space<semaphore_mem>>, %arg22: memref<!tpu.dma_semaphore, #tpu.memory_space<semaphore_mem>>, %arg23: memref<!tpu.dma_semaphore, #tpu.memory_space<semaphore_mem>>, %arg24: memref<!tpu.dma_semaphore, #tpu.memory_space<semaphore_mem>>, %arg25: memref<!tpu.dma_semaphore, #tpu.memory_space<semaphore_mem>>, %arg26: memref<!tpu.dma_semaphore, #tpu.memory_space<semaphore_mem>>) attributes {dimension_semantics = [#tpu.dimension_semantics<core_parallel>, #tpu.dimension_semantics<subcore_parallel>], iteration_bounds = array<i64: 2, 16>, scalar_prefetch = 0 : i64, scratch_operands = 18 : i64, tpu.core_type = #tpu.core_type<sc_vector_subcore>, window_params = [{transform_indices = #map}, {transform_indices = #map}, {transform_indices = #map1}, {transform_indices = #map1}, {transform_indices = #map1}, {transform_indices = #map1}, {transform_indices = #map}]} {
    %mul3A = arith.constant 2 : i32
    %mul3A_0 = arith.muli %arg1, %mul3A : i32
    %add3A = arith.addi %mul3A_0, %arg0 : i32
    "tpu.region"() ({
      %run_scoped3A = tpu.sem_alloc : memref<!tpu.dma_semaphore, #tpu.memory_space<semaphore_mem>>
      tpu.enqueue_dma source(%arg6 : memref<2000xf32, #tpu.memory_space<hbm>>) target(%arg19 : memref<2000xf32, #tpu.memory_space<vmem>>) target_semaphore(%run_scoped3A : memref<!tpu.dma_semaphore, #tpu.memory_space<semaphore_mem>>)
      tpu.wait_dma2 semaphore(%run_scoped3A : memref<!tpu.dma_semaphore, #tpu.memory_space<semaphore_mem>>) src(%arg6 : memref<2000xf32, #tpu.memory_space<hbm>>) dst(%arg19 : memref<2000xf32, #tpu.memory_space<vmem>>)
      tpu.yield
    }) : () -> ()
    "tpu.region"() ({
      %run_scoped3A = tpu.sem_alloc : memref<!tpu.dma_semaphore, #tpu.memory_space<semaphore_mem>>
      tpu.enqueue_dma source(%arg7 : memref<2000xf32, #tpu.memory_space<hbm>>) target(%arg20 : memref<2000xf32, #tpu.memory_space<vmem>>) target_semaphore(%run_scoped3A : memref<!tpu.dma_semaphore, #tpu.memory_space<semaphore_mem>>)
      tpu.wait_dma2 semaphore(%run_scoped3A : memref<!tpu.dma_semaphore, #tpu.memory_space<semaphore_mem>>) src(%arg7 : memref<2000xf32, #tpu.memory_space<hbm>>) dst(%arg20 : memref<2000xf32, #tpu.memory_space<vmem>>)
      tpu.yield
    }) : () -> ()
    %mul3A_1 = arith.constant 200 : i32
    %mul3A_2 = arith.muli %add3A, %mul3A_1 : i32
    %add3A_3 = arith.constant 0 : i32
    %add3A_4 = arith.addi %add3A_3, %mul3A_2 : i32
    %add3A_5 = arith.constant 0 : i32
    %add3A_6 = arith.addi %add3A_4, %add3A_5 : i32
    %mul3A_7 = arith.constant 128 : i32
    %mul3A_8 = arith.muli %add3A_6, %mul3A_7 : i32
    %dma_start3A = arith.constant 0 : i32
    %dma_start3A_9 = tpu.memref_slice %arg3[%add3A_6, %dma_start3A] : memref<6400x128xi32, #tpu.memory_space<hbm>> -> memref<4x128xi32, #tpu.memory_space<hbm>>
    %dma_start3A_10 = arith.constant 0 : i32
    %dma_start3A_11 = tpu.memref_slice %arg3[%add3A_6, %dma_start3A_10] : memref<6400x128xi32, #tpu.memory_space<hbm>> -> memref<4x128xi32, #tpu.memory_space<hbm>>
    tpu.enqueue_dma source(%dma_start3A_11 : memref<4x128xi32, #tpu.memory_space<hbm>>) target(%arg9 : memref<4x128xi32, #tpu.memory_space<vmem>>) target_semaphore(%arg25 : memref<!tpu.dma_semaphore, #tpu.memory_space<semaphore_mem>>)
    %dma_start3A_12 = tpu.memref_slice %arg4[%mul3A_8] : memref<819200xi32, #tpu.memory_space<hbm>> -> memref<512xi32, #tpu.memory_space<hbm>>
    %dma_start3A_13 = tpu.memref_slice %arg4[%mul3A_8] : memref<819200xi32, #tpu.memory_space<hbm>> -> memref<512xi32, #tpu.memory_space<hbm>>
    tpu.enqueue_dma source(%dma_start3A_13 : memref<512xi32, #tpu.memory_space<hbm>>) target(%arg11 : memref<512xi32, #tpu.memory_space<vmem>>) target_semaphore(%arg25 : memref<!tpu.dma_semaphore, #tpu.memory_space<semaphore_mem>>)
    %dma_start3A_14 = tpu.memref_slice %arg5[%mul3A_8] : memref<819200xi32, #tpu.memory_space<hbm>> -> memref<512xi32, #tpu.memory_space<hbm>>
    %dma_start3A_15 = tpu.memref_slice %arg5[%mul3A_8] : memref<819200xi32, #tpu.memory_space<hbm>> -> memref<512xi32, #tpu.memory_space<hbm>>
    tpu.enqueue_dma source(%dma_start3A_15 : memref<512xi32, #tpu.memory_space<hbm>>) target(%arg13 : memref<512xi32, #tpu.memory_space<vmem>>) target_semaphore(%arg25 : memref<!tpu.dma_semaphore, #tpu.memory_space<semaphore_mem>>)
    %add3A_16 = arith.constant 0 : i32
    %add3A_17 = arith.addi %add3A_4, %add3A_16 : i32
    %mul3A_18 = arith.constant 128 : i32
    %mul3A_19 = arith.muli %add3A_17, %mul3A_18 : i32
    %dma_wait3A = arith.constant 0 : i32
    %dma_wait3A_20 = tpu.memref_slice %arg3[%add3A_17, %dma_wait3A] : memref<6400x128xi32, #tpu.memory_space<hbm>> -> memref<4x128xi32, #tpu.memory_space<hbm>>
    %dma_wait3A_21 = arith.constant 0 : i32
    %dma_wait3A_22 = tpu.memref_slice %arg3[%add3A_17, %dma_wait3A_21] : memref<6400x128xi32, #tpu.memory_space<hbm>> -> memref<4x128xi32, #tpu.memory_space<hbm>>
    tpu.wait_dma2 semaphore(%arg25 : memref<!tpu.dma_semaphore, #tpu.memory_space<semaphore_mem>>) src(%dma_wait3A_22 : memref<4x128xi32, #tpu.memory_space<hbm>>) dst(%arg9 : memref<4x128xi32, #tpu.memory_space<vmem>>)
    %dma_wait3A_23 = tpu.memref_slice %arg4[%mul3A_19] : memref<819200xi32, #tpu.memory_space<hbm>> -> memref<512xi32, #tpu.memory_space<hbm>>
    %dma_wait3A_24 = tpu.memref_slice %arg4[%mul3A_19] : memref<819200xi32, #tpu.memory_space<hbm>> -> memref<512xi32, #tpu.memory_space<hbm>>
    tpu.wait_dma2 semaphore(%arg25 : memref<!tpu.dma_semaphore, #tpu.memory_space<semaphore_mem>>) src(%dma_wait3A_24 : memref<512xi32, #tpu.memory_space<hbm>>) dst(%arg11 : memref<512xi32, #tpu.memory_space<vmem>>)
    %dma_wait3A_25 = tpu.memref_slice %arg5[%mul3A_19] : memref<819200xi32, #tpu.memory_space<hbm>> -> memref<512xi32, #tpu.memory_space<hbm>>
    %dma_wait3A_26 = tpu.memref_slice %arg5[%mul3A_19] : memref<819200xi32, #tpu.memory_space<hbm>> -> memref<512xi32, #tpu.memory_space<hbm>>
    tpu.wait_dma2 semaphore(%arg25 : memref<!tpu.dma_semaphore, #tpu.memory_space<semaphore_mem>>) src(%dma_wait3A_26 : memref<512xi32, #tpu.memory_space<hbm>>) dst(%arg13 : memref<512xi32, #tpu.memory_space<vmem>>)
    %dma_start3A_27 = arith.constant 0 : i32
    %dma_start3A_28 = arith.constant 0 : i32
    %dma_start3A_29 = arith.constant 0 : i32
    %dma_start3A_30 = tpu.memref_slice %arg15[%dma_start3A_28, %dma_start3A_29] : memref<512x64xf32, #tpu.memory_space<vmem>> -> memref<128x64xf32, #tpu.memory_space<vmem>>
    %dma_start3A_31 = arith.constant 0 : i32
    %dma_start3A_32 = tpu.memref_slice %arg9[%dma_start3A_27, %dma_start3A_31] : memref<4x128xi32, #tpu.memory_space<vmem>> -> memref<1x128xi32, #tpu.memory_space<vmem>>
    %dma_start3A_33 = tpu.memref_squeeze %dma_start3A_32 : memref<1x128xi32, #tpu.memory_space<vmem>> -> memref<128xi32, #tpu.memory_space<vmem>>
    %dma_start3A_34 = arith.constant 0 : i32
    %dma_start3A_35 = arith.constant 0 : i32
    %dma_start3A_36 = tpu.memref_slice %arg2[%dma_start3A_34, %dma_start3A_35] : memref<100000x64xf32, #tpu.memory_space<hbm>> -> memref<100000x64xf32, #tpu.memory_space<hbm>>
    tpu.enqueue_indirect_dma source(%dma_start3A_36 : memref<100000x64xf32, #tpu.memory_space<hbm>>) target(%dma_start3A_30 : memref<128x64xf32, #tpu.memory_space<vmem>>) offsets(%dma_start3A_33 : memref<128xi32, #tpu.memory_space<vmem>>) semaphore(%arg21 : memref<!tpu.dma_semaphore, #tpu.memory_space<semaphore_mem>>)
    %dma_start3A_37 = arith.constant 1 : i32
    %dma_start3A_38 = arith.constant 128 : i32
    %dma_start3A_39 = arith.constant 0 : i32
    %dma_start3A_40 = tpu.memref_slice %arg15[%dma_start3A_38, %dma_start3A_39] : memref<512x64xf32, #tpu.memory_space<vmem>> -> memref<128x64xf32, #tpu.memory_space<vmem>>
    %dma_start3A_41 = arith.constant 0 : i32
    %dma_start3A_42 = tpu.memref_slice %arg9[%dma_start3A_37, %dma_start3A_41] : memref<4x128xi32, #tpu.memory_space<vmem>> -> memref<1x128xi32, #tpu.memory_space<vmem>>
    %dma_start3A_43 = tpu.memref_squeeze %dma_start3A_42 : memref<1x128xi32, #tpu.memory_space<vmem>> -> memref<128xi32, #tpu.memory_space<vmem>>
    %dma_start3A_44 = arith.constant 0 : i32
    %dma_start3A_45 = arith.constant 0 : i32
    %dma_start3A_46 = tpu.memref_slice %arg2[%dma_start3A_44, %dma_start3A_45] : memref<100000x64xf32, #tpu.memory_space<hbm>> -> memref<100000x64xf32, #tpu.memory_space<hbm>>
    tpu.enqueue_indirect_dma source(%dma_start3A_46 : memref<100000x64xf32, #tpu.memory_space<hbm>>) target(%dma_start3A_40 : memref<128x64xf32, #tpu.memory_space<vmem>>) offsets(%dma_start3A_43 : memref<128xi32, #tpu.memory_space<vmem>>) semaphore(%arg21 : memref<!tpu.dma_semaphore, #tpu.memory_space<semaphore_mem>>)
    %dma_start3A_47 = arith.constant 2 : i32
    %dma_start3A_48 = arith.constant 256 : i32
    %dma_start3A_49 = arith.constant 0 : i32
    %dma_start3A_50 = tpu.memref_slice %arg15[%dma_start3A_48, %dma_start3A_49] : memref<512x64xf32, #tpu.memory_space<vmem>> -> memref<128x64xf32, #tpu.memory_space<vmem>>
    %dma_start3A_51 = arith.constant 0 : i32
    %dma_start3A_52 = tpu.memref_slice %arg9[%dma_start3A_47, %dma_start3A_51] : memref<4x128xi32, #tpu.memory_space<vmem>> -> memref<1x128xi32, #tpu.memory_space<vmem>>
    %dma_start3A_53 = tpu.memref_squeeze %dma_start3A_52 : memref<1x128xi32, #tpu.memory_space<vmem>> -> memref<128xi32, #tpu.memory_space<vmem>>
    %dma_start3A_54 = arith.constant 0 : i32
    %dma_start3A_55 = arith.constant 0 : i32
    %dma_start3A_56 = tpu.memref_slice %arg2[%dma_start3A_54, %dma_start3A_55] : memref<100000x64xf32, #tpu.memory_space<hbm>> -> memref<100000x64xf32, #tpu.memory_space<hbm>>
    tpu.enqueue_indirect_dma source(%dma_start3A_56 : memref<100000x64xf32, #tpu.memory_space<hbm>>) target(%dma_start3A_50 : memref<128x64xf32, #tpu.memory_space<vmem>>) offsets(%dma_start3A_53 : memref<128xi32, #tpu.memory_space<vmem>>) semaphore(%arg21 : memref<!tpu.dma_semaphore, #tpu.memory_space<semaphore_mem>>)
    %dma_start3A_57 = arith.constant 3 : i32
    %dma_start3A_58 = arith.constant 384 : i32
    %dma_start3A_59 = arith.constant 0 : i32
    %dma_start3A_60 = tpu.memref_slice %arg15[%dma_start3A_58, %dma_start3A_59] : memref<512x64xf32, #tpu.memory_space<vmem>> -> memref<128x64xf32, #tpu.memory_space<vmem>>
    %dma_start3A_61 = arith.constant 0 : i32
    %dma_start3A_62 = tpu.memref_slice %arg9[%dma_start3A_57, %dma_start3A_61] : memref<4x128xi32, #tpu.memory_space<vmem>> -> memref<1x128xi32, #tpu.memory_space<vmem>>
    %dma_start3A_63 = tpu.memref_squeeze %dma_start3A_62 : memref<1x128xi32, #tpu.memory_space<vmem>> -> memref<128xi32, #tpu.memory_space<vmem>>
    %dma_start3A_64 = arith.constant 0 : i32
    %dma_start3A_65 = arith.constant 0 : i32
    %dma_start3A_66 = tpu.memref_slice %arg2[%dma_start3A_64, %dma_start3A_65] : memref<100000x64xf32, #tpu.memory_space<hbm>> -> memref<100000x64xf32, #tpu.memory_space<hbm>>
    tpu.enqueue_indirect_dma source(%dma_start3A_66 : memref<100000x64xf32, #tpu.memory_space<hbm>>) target(%dma_start3A_60 : memref<128x64xf32, #tpu.memory_space<vmem>>) offsets(%dma_start3A_63 : memref<128xi32, #tpu.memory_space<vmem>>) semaphore(%arg21 : memref<!tpu.dma_semaphore, #tpu.memory_space<semaphore_mem>>)
    %add3A_67 = arith.constant 4 : i32
    %add3A_68 = arith.addi %add3A_4, %add3A_67 : i32
    %mul3A_69 = arith.constant 128 : i32
    %mul3A_70 = arith.muli %add3A_68, %mul3A_69 : i32
    %dma_start3A_71 = arith.constant 0 : i32
    %dma_start3A_72 = tpu.memref_slice %arg3[%add3A_68, %dma_start3A_71] : memref<6400x128xi32, #tpu.memory_space<hbm>> -> memref<4x128xi32, #tpu.memory_space<hbm>>
    %dma_start3A_73 = arith.constant 0 : i32
    %dma_start3A_74 = tpu.memref_slice %arg3[%add3A_68, %dma_start3A_73] : memref<6400x128xi32, #tpu.memory_space<hbm>> -> memref<4x128xi32, #tpu.memory_space<hbm>>
    tpu.enqueue_dma source(%dma_start3A_74 : memref<4x128xi32, #tpu.memory_space<hbm>>) target(%arg10 : memref<4x128xi32, #tpu.memory_space<vmem>>) target_semaphore(%arg26 : memref<!tpu.dma_semaphore, #tpu.memory_space<semaphore_mem>>)
    %dma_start3A_75 = tpu.memref_slice %arg4[%mul3A_70] : memref<819200xi32, #tpu.memory_space<hbm>> -> memref<512xi32, #tpu.memory_space<hbm>>
    %dma_start3A_76 = tpu.memref_slice %arg4[%mul3A_70] : memref<819200xi32, #tpu.memory_space<hbm>> -> memref<512xi32, #tpu.memory_space<hbm>>
    tpu.enqueue_dma source(%dma_start3A_76 : memref<512xi32, #tpu.memory_space<hbm>>) target(%arg12 : memref<512xi32, #tpu.memory_space<vmem>>) target_semaphore(%arg26 : memref<!tpu.dma_semaphore, #tpu.memory_space<semaphore_mem>>)
    %dma_start3A_77 = tpu.memref_slice %arg5[%mul3A_70] : memref<819200xi32, #tpu.memory_space<hbm>> -> memref<512xi32, #tpu.memory_space<hbm>>
    %dma_start3A_78 = tpu.memref_slice %arg5[%mul3A_70] : memref<819200xi32, #tpu.memory_space<hbm>> -> memref<512xi32, #tpu.memory_space<hbm>>
    tpu.enqueue_dma source(%dma_start3A_78 : memref<512xi32, #tpu.memory_space<hbm>>) target(%arg14 : memref<512xi32, #tpu.memory_space<vmem>>) target_semaphore(%arg26 : memref<!tpu.dma_semaphore, #tpu.memory_space<semaphore_mem>>)
    %scan3A = arith.constant 0 : i32
    %scan3A_79 = arith.constant 0 : i32
    %scan3A_80 = arith.constant 25 : i32
    %scan3A_81 = arith.addi %scan3A_79, %scan3A_80 : i32
    %scan3A_82 = arith.constant 1 : i32
    %scan3A_83 = scf.for %scan3A_121 = %scan3A_79 to %scan3A_81 step %scan3A_82 iter_args(%scan3A_122 = %scan3A) -> (i32)  : i32 {
      %mul3A_123 = arith.constant 2 : i32
      %mul3A_124 = arith.muli %scan3A_121, %mul3A_123 : i32
      %add3A_125 = arith.constant 1 : i32
      %add3A_126 = arith.addi %mul3A_124, %add3A_125 : i32
      %lt3A = arith.constant 50 : i32
      %lt3A_127 = arith.cmpi slt, %add3A_126, %lt3A : i32
      %dma_wait3A_128 = arith.constant 0 : i32
      %dma_wait3A_129 = arith.constant 0 : i32
      %dma_wait3A_130 = arith.constant 0 : i32
      %dma_wait3A_131 = tpu.memref_slice %arg15[%dma_wait3A_129, %dma_wait3A_130] : memref<512x64xf32, #tpu.memory_space<vmem>> -> memref<128x64xf32, #tpu.memory_space<vmem>>
      %dma_wait3A_132 = arith.constant 0 : i32
      %dma_wait3A_133 = tpu.memref_slice %arg9[%dma_wait3A_128, %dma_wait3A_132] : memref<4x128xi32, #tpu.memory_space<vmem>> -> memref<1x128xi32, #tpu.memory_space<vmem>>
      %dma_wait3A_134 = tpu.memref_squeeze %dma_wait3A_133 : memref<1x128xi32, #tpu.memory_space<vmem>> -> memref<128xi32, #tpu.memory_space<vmem>>
      %dma_wait3A_135 = arith.constant 0 : i32
      %dma_wait3A_136 = arith.constant 0 : i32
      %dma_wait3A_137 = tpu.memref_slice %arg2[%dma_wait3A_135, %dma_wait3A_136] : memref<100000x64xf32, #tpu.memory_space<hbm>> -> memref<100000x64xf32, #tpu.memory_space<hbm>>
      tpu.wait_indirect_dma semaphore(%arg21 : memref<!tpu.dma_semaphore, #tpu.memory_space<semaphore_mem>>) src(%dma_wait3A_137 : memref<100000x64xf32, #tpu.memory_space<hbm>>) dst(%dma_wait3A_131 : memref<128x64xf32, #tpu.memory_space<vmem>>)
      %dma_wait3A_138 = arith.constant 1 : i32
      %dma_wait3A_139 = arith.constant 128 : i32
      %dma_wait3A_140 = arith.constant 0 : i32
      %dma_wait3A_141 = tpu.memref_slice %arg15[%dma_wait3A_139, %dma_wait3A_140] : memref<512x64xf32, #tpu.memory_space<vmem>> -> memref<128x64xf32, #tpu.memory_space<vmem>>
      %dma_wait3A_142 = arith.constant 0 : i32
      %dma_wait3A_143 = tpu.memref_slice %arg9[%dma_wait3A_138, %dma_wait3A_142] : memref<4x128xi32, #tpu.memory_space<vmem>> -> memref<1x128xi32, #tpu.memory_space<vmem>>
      %dma_wait3A_144 = tpu.memref_squeeze %dma_wait3A_143 : memref<1x128xi32, #tpu.memory_space<vmem>> -> memref<128xi32, #tpu.memory_space<vmem>>
      %dma_wait3A_145 = arith.constant 0 : i32
      %dma_wait3A_146 = arith.constant 0 : i32
      %dma_wait3A_147 = tpu.memref_slice %arg2[%dma_wait3A_145, %dma_wait3A_146] : memref<100000x64xf32, #tpu.memory_space<hbm>> -> memref<100000x64xf32, #tpu.memory_space<hbm>>
      tpu.wait_indirect_dma semaphore(%arg21 : memref<!tpu.dma_semaphore, #tpu.memory_space<semaphore_mem>>) src(%dma_wait3A_147 : memref<100000x64xf32, #tpu.memory_space<hbm>>) dst(%dma_wait3A_141 : memref<128x64xf32, #tpu.memory_space<vmem>>)
      %dma_wait3A_148 = arith.constant 2 : i32
      %dma_wait3A_149 = arith.constant 256 : i32
      %dma_wait3A_150 = arith.constant 0 : i32
      %dma_wait3A_151 = tpu.memref_slice %arg15[%dma_wait3A_149, %dma_wait3A_150] : memref<512x64xf32, #tpu.memory_space<vmem>> -> memref<128x64xf32, #tpu.memory_space<vmem>>
      %dma_wait3A_152 = arith.constant 0 : i32
      %dma_wait3A_153 = tpu.memref_slice %arg9[%dma_wait3A_148, %dma_wait3A_152] : memref<4x128xi32, #tpu.memory_space<vmem>> -> memref<1x128xi32, #tpu.memory_space<vmem>>
      %dma_wait3A_154 = tpu.memref_squeeze %dma_wait3A_153 : memref<1x128xi32, #tpu.memory_space<vmem>> -> memref<128xi32, #tpu.memory_space<vmem>>
      %dma_wait3A_155 = arith.constant 0 : i32
      %dma_wait3A_156 = arith.constant 0 : i32
      %dma_wait3A_157 = tpu.memref_slice %arg2[%dma_wait3A_155, %dma_wait3A_156] : memref<100000x64xf32, #tpu.memory_space<hbm>> -> memref<100000x64xf32, #tpu.memory_space<hbm>>
      tpu.wait_indirect_dma semaphore(%arg21 : memref<!tpu.dma_semaphore, #tpu.memory_space<semaphore_mem>>) src(%dma_wait3A_157 : memref<100000x64xf32, #tpu.memory_space<hbm>>) dst(%dma_wait3A_151 : memref<128x64xf32, #tpu.memory_space<vmem>>)
      %dma_wait3A_158 = arith.constant 3 : i32
      %dma_wait3A_159 = arith.constant 384 : i32
      %dma_wait3A_160 = arith.constant 0 : i32
      %dma_wait3A_161 = tpu.memref_slice %arg15[%dma_wait3A_159, %dma_wait3A_160] : memref<512x64xf32, #tpu.memory_space<vmem>> -> memref<128x64xf32, #tpu.memory_space<vmem>>
      %dma_wait3A_162 = arith.constant 0 : i32
      %dma_wait3A_163 = tpu.memref_slice %arg9[%dma_wait3A_158, %dma_wait3A_162] : memref<4x128xi32, #tpu.memory_space<vmem>> -> memref<1x128xi32, #tpu.memory_space<vmem>>
      %dma_wait3A_164 = tpu.memref_squeeze %dma_wait3A_163 : memref<1x128xi32, #tpu.memory_space<vmem>> -> memref<128xi32, #tpu.memory_space<vmem>>
      %dma_wait3A_165 = arith.constant 0 : i32
      %dma_wait3A_166 = arith.constant 0 : i32
      %dma_wait3A_167 = tpu.memref_slice %arg2[%dma_wait3A_165, %dma_wait3A_166] : memref<100000x64xf32, #tpu.memory_space<hbm>> -> memref<100000x64xf32, #tpu.memory_space<hbm>>
      tpu.wait_indirect_dma semaphore(%arg21 : memref<!tpu.dma_semaphore, #tpu.memory_space<semaphore_mem>>) src(%dma_wait3A_167 : memref<100000x64xf32, #tpu.memory_space<hbm>>) dst(%dma_wait3A_161 : memref<128x64xf32, #tpu.memory_space<vmem>>)
      %convert_element_type3A = arith.extui %lt3A_127 : i1 to i32
      %cond3A = arith.constant 0 : i32
      %cond3A_168 = arith.cmpi ne, %convert_element_type3A, %cond3A : i32
      scf.if %cond3A_168 {
        %ge3A = arith.constant 1 : i32
        %ge3A_285 = arith.cmpi sge, %mul3A_124, %ge3A : i32
        %convert_element_type3A_286 = arith.extui %ge3A_285 : i1 to i32
        %cond3A_287 = arith.constant 0 : i32
        %cond3A_288 = arith.cmpi ne, %convert_element_type3A_286, %cond3A_287 : i32
        scf.if %cond3A_288 {
          %sub3A = arith.constant 1 : i32
          %sub3A_344 = arith.subi %mul3A_124, %sub3A : i32
          %mul3A_345 = arith.constant 4 : i32
          %mul3A_346 = arith.muli %sub3A_344, %mul3A_345 : i32
          %add3A_347 = arith.addi %add3A_4, %mul3A_346 : i32
          %mul3A_348 = arith.constant 128 : i32
          %mul3A_349 = arith.muli %add3A_347, %mul3A_348 : i32
          %dma_wait3A_350 = arith.constant 0 : i32
          %dma_wait3A_351 = arith.constant 0 : i32
          %dma_wait3A_352 = tpu.memref_slice %arg16[%dma_wait3A_350, %dma_wait3A_351] : memref<512x64xf32, #tpu.memory_space<vmem>> -> memref<512x56xf32, #tpu.memory_space<vmem>>
          %dma_wait3A_353 = arith.constant 0 : i32
          %dma_wait3A_354 = tpu.memref_slice %arg8[%mul3A_349, %dma_wait3A_353] : memref<819200x60xf32, #tpu.memory_space<hbm>> -> memref<512x56xf32, #tpu.memory_space<hbm>>
          %dma_wait3A_355 = arith.constant 0 : i32
          %dma_wait3A_356 = tpu.memref_slice %arg8[%mul3A_349, %dma_wait3A_355] : memref<819200x60xf32, #tpu.memory_space<hbm>> -> memref<512x56xf32, #tpu.memory_space<hbm>>
          %dma_wait3A_357 = arith.constant 0 : i32
          %dma_wait3A_358 = arith.constant 0 : i32
          %dma_wait3A_359 = tpu.memref_slice %arg16[%dma_wait3A_357, %dma_wait3A_358] : memref<512x64xf32, #tpu.memory_space<vmem>> -> memref<512x56xf32, #tpu.memory_space<vmem>>
          tpu.wait_dma2 semaphore(%arg24 : memref<!tpu.dma_semaphore, #tpu.memory_space<semaphore_mem>>) src(%dma_wait3A_359 : memref<512x56xf32, #tpu.memory_space<vmem>>) dst(%dma_wait3A_356 : memref<512x56xf32, #tpu.memory_space<hbm>>)
          %dma_wait3A_360 = arith.constant 56 : i32
          %dma_wait3A_361 = tpu.memref_slice %arg8[%mul3A_349, %dma_wait3A_360] : memref<819200x60xf32, #tpu.memory_space<hbm>> -> memref<512x4xf32, #tpu.memory_space<hbm>>
          %dma_wait3A_362 = arith.constant 56 : i32
          %dma_wait3A_363 = tpu.memref_slice %arg8[%mul3A_349, %dma_wait3A_362] : memref<819200x60xf32, #tpu.memory_space<hbm>> -> memref<512x4xf32, #tpu.memory_space<hbm>>
          tpu.wait_dma2 semaphore(%arg24 : memref<!tpu.dma_semaphore, #tpu.memory_space<semaphore_mem>>) src(%arg18 : memref<512x4xf32, #tpu.memory_space<vmem>>) dst(%dma_wait3A_363 : memref<512x4xf32, #tpu.memory_space<hbm>>)
        } else {
        }
        %add3A_289 = arith.constant 1 : i32
        %add3A_290 = arith.addi %mul3A_124, %add3A_289 : i32
        %mul3A_291 = arith.constant 4 : i32
        %mul3A_292 = arith.muli %add3A_290, %mul3A_291 : i32
        %add3A_293 = arith.addi %add3A_4, %mul3A_292 : i32
        %mul3A_294 = arith.constant 128 : i32
        %mul3A_295 = arith.muli %add3A_293, %mul3A_294 : i32
        %dma_wait3A_296 = arith.constant 0 : i32
        %dma_wait3A_297 = tpu.memref_slice %arg3[%add3A_293, %dma_wait3A_296] : memref<6400x128xi32, #tpu.memory_space<hbm>> -> memref<4x128xi32, #tpu.memory_space<hbm>>
        %dma_wait3A_298 = arith.constant 0 : i32
        %dma_wait3A_299 = tpu.memref_slice %arg3[%add3A_293, %dma_wait3A_298] : memref<6400x128xi32, #tpu.memory_space<hbm>> -> memref<4x128xi32, #tpu.memory_space<hbm>>
        tpu.wait_dma2 semaphore(%arg26 : memref<!tpu.dma_semaphore, #tpu.memory_space<semaphore_mem>>) src(%dma_wait3A_299 : memref<4x128xi32, #tpu.memory_space<hbm>>) dst(%arg10 : memref<4x128xi32, #tpu.memory_space<vmem>>)
        %dma_wait3A_300 = tpu.memref_slice %arg4[%mul3A_295] : memref<819200xi32, #tpu.memory_space<hbm>> -> memref<512xi32, #tpu.memory_space<hbm>>
        %dma_wait3A_301 = tpu.memref_slice %arg4[%mul3A_295] : memref<819200xi32, #tpu.memory_space<hbm>> -> memref<512xi32, #tpu.memory_space<hbm>>
        tpu.wait_dma2 semaphore(%arg26 : memref<!tpu.dma_semaphore, #tpu.memory_space<semaphore_mem>>) src(%dma_wait3A_301 : memref<512xi32, #tpu.memory_space<hbm>>) dst(%arg12 : memref<512xi32, #tpu.memory_space<vmem>>)
        %dma_wait3A_302 = tpu.memref_slice %arg5[%mul3A_295] : memref<819200xi32, #tpu.memory_space<hbm>> -> memref<512xi32, #tpu.memory_space<hbm>>
        %dma_wait3A_303 = tpu.memref_slice %arg5[%mul3A_295] : memref<819200xi32, #tpu.memory_space<hbm>> -> memref<512xi32, #tpu.memory_space<hbm>>
        tpu.wait_dma2 semaphore(%arg26 : memref<!tpu.dma_semaphore, #tpu.memory_space<semaphore_mem>>) src(%dma_wait3A_303 : memref<512xi32, #tpu.memory_space<hbm>>) dst(%arg14 : memref<512xi32, #tpu.memory_space<vmem>>)
        %dma_start3A_304 = arith.constant 0 : i32
        %dma_start3A_305 = arith.constant 0 : i32
        %dma_start3A_306 = arith.constant 0 : i32
        %dma_start3A_307 = tpu.memref_slice %arg16[%dma_start3A_305, %dma_start3A_306] : memref<512x64xf32, #tpu.memory_space<vmem>> -> memref<128x64xf32, #tpu.memory_space<vmem>>
        %dma_start3A_308 = arith.constant 0 : i32
        %dma_start3A_309 = tpu.memref_slice %arg10[%dma_start3A_304, %dma_start3A_308] : memref<4x128xi32, #tpu.memory_space<vmem>> -> memref<1x128xi32, #tpu.memory_space<vmem>>
        %dma_start3A_310 = tpu.memref_squeeze %dma_start3A_309 : memref<1x128xi32, #tpu.memory_space<vmem>> -> memref<128xi32, #tpu.memory_space<vmem>>
        %dma_start3A_311 = arith.constant 0 : i32
        %dma_start3A_312 = arith.constant 0 : i32
        %dma_start3A_313 = tpu.memref_slice %arg2[%dma_start3A_311, %dma_start3A_312] : memref<100000x64xf32, #tpu.memory_space<hbm>> -> memref<100000x64xf32, #tpu.memory_space<hbm>>
        tpu.enqueue_indirect_dma source(%dma_start3A_313 : memref<100000x64xf32, #tpu.memory_space<hbm>>) target(%dma_start3A_307 : memref<128x64xf32, #tpu.memory_space<vmem>>) offsets(%dma_start3A_310 : memref<128xi32, #tpu.memory_space<vmem>>) semaphore(%arg22 : memref<!tpu.dma_semaphore, #tpu.memory_space<semaphore_mem>>)
        %dma_start3A_314 = arith.constant 1 : i32
        %dma_start3A_315 = arith.constant 128 : i32
        %dma_start3A_316 = arith.constant 0 : i32
        %dma_start3A_317 = tpu.memref_slice %arg16[%dma_start3A_315, %dma_start3A_316] : memref<512x64xf32, #tpu.memory_space<vmem>> -> memref<128x64xf32, #tpu.memory_space<vmem>>
        %dma_start3A_318 = arith.constant 0 : i32
        %dma_start3A_319 = tpu.memref_slice %arg10[%dma_start3A_314, %dma_start3A_318] : memref<4x128xi32, #tpu.memory_space<vmem>> -> memref<1x128xi32, #tpu.memory_space<vmem>>
        %dma_start3A_320 = tpu.memref_squeeze %dma_start3A_319 : memref<1x128xi32, #tpu.memory_space<vmem>> -> memref<128xi32, #tpu.memory_space<vmem>>
        %dma_start3A_321 = arith.constant 0 : i32
        %dma_start3A_322 = arith.constant 0 : i32
        %dma_start3A_323 = tpu.memref_slice %arg2[%dma_start3A_321, %dma_start3A_322] : memref<100000x64xf32, #tpu.memory_space<hbm>> -> memref<100000x64xf32, #tpu.memory_space<hbm>>
        tpu.enqueue_indirect_dma source(%dma_start3A_323 : memref<100000x64xf32, #tpu.memory_space<hbm>>) target(%dma_start3A_317 : memref<128x64xf32, #tpu.memory_space<vmem>>) offsets(%dma_start3A_320 : memref<128xi32, #tpu.memory_space<vmem>>) semaphore(%arg22 : memref<!tpu.dma_semaphore, #tpu.memory_space<semaphore_mem>>)
        %dma_start3A_324 = arith.constant 2 : i32
        %dma_start3A_325 = arith.constant 256 : i32
        %dma_start3A_326 = arith.constant 0 : i32
        %dma_start3A_327 = tpu.memref_slice %arg16[%dma_start3A_325, %dma_start3A_326] : memref<512x64xf32, #tpu.memory_space<vmem>> -> memref<128x64xf32, #tpu.memory_space<vmem>>
        %dma_start3A_328 = arith.constant 0 : i32
        %dma_start3A_329 = tpu.memref_slice %arg10[%dma_start3A_324, %dma_start3A_328] : memref<4x128xi32, #tpu.memory_space<vmem>> -> memref<1x128xi32, #tpu.memory_space<vmem>>
        %dma_start3A_330 = tpu.memref_squeeze %dma_start3A_329 : memref<1x128xi32, #tpu.memory_space<vmem>> -> memref<128xi32, #tpu.memory_space<vmem>>
        %dma_start3A_331 = arith.constant 0 : i32
        %dma_start3A_332 = arith.constant 0 : i32
        %dma_start3A_333 = tpu.memref_slice %arg2[%dma_start3A_331, %dma_start3A_332] : memref<100000x64xf32, #tpu.memory_space<hbm>> -> memref<100000x64xf32, #tpu.memory_space<hbm>>
        tpu.enqueue_indirect_dma source(%dma_start3A_333 : memref<100000x64xf32, #tpu.memory_space<hbm>>) target(%dma_start3A_327 : memref<128x64xf32, #tpu.memory_space<vmem>>) offsets(%dma_start3A_330 : memref<128xi32, #tpu.memory_space<vmem>>) semaphore(%arg22 : memref<!tpu.dma_semaphore, #tpu.memory_space<semaphore_mem>>)
        %dma_start3A_334 = arith.constant 3 : i32
        %dma_start3A_335 = arith.constant 384 : i32
        %dma_start3A_336 = arith.constant 0 : i32
        %dma_start3A_337 = tpu.memref_slice %arg16[%dma_start3A_335, %dma_start3A_336] : memref<512x64xf32, #tpu.memory_space<vmem>> -> memref<128x64xf32, #tpu.memory_space<vmem>>
        %dma_start3A_338 = arith.constant 0 : i32
        %dma_start3A_339 = tpu.memref_slice %arg10[%dma_start3A_334, %dma_start3A_338] : memref<4x128xi32, #tpu.memory_space<vmem>> -> memref<1x128xi32, #tpu.memory_space<vmem>>
        %dma_start3A_340 = tpu.memref_squeeze %dma_start3A_339 : memref<1x128xi32, #tpu.memory_space<vmem>> -> memref<128xi32, #tpu.memory_space<vmem>>
        %dma_start3A_341 = arith.constant 0 : i32
        %dma_start3A_342 = arith.constant 0 : i32
        %dma_start3A_343 = tpu.memref_slice %arg2[%dma_start3A_341, %dma_start3A_342] : memref<100000x64xf32, #tpu.memory_space<hbm>> -> memref<100000x64xf32, #tpu.memory_space<hbm>>
        tpu.enqueue_indirect_dma source(%dma_start3A_343 : memref<100000x64xf32, #tpu.memory_space<hbm>>) target(%dma_start3A_337 : memref<128x64xf32, #tpu.memory_space<vmem>>) offsets(%dma_start3A_340 : memref<128xi32, #tpu.memory_space<vmem>>) semaphore(%arg22 : memref<!tpu.dma_semaphore, #tpu.memory_space<semaphore_mem>>)
      } else {
      }
      %scan3A_169 = arith.constant 0 : i32
      %scan3A_170 = arith.constant 0 : i32
      %scan3A_171 = arith.constant 16 : i32
      %scan3A_172 = arith.addi %scan3A_170, %scan3A_171 : i32
      %scan3A_173 = arith.constant 1 : i32
      %scan3A_174 = scf.for %scan3A_285 = %scan3A_170 to %scan3A_172 step %scan3A_173 iter_args(%scan3A_286 = %scan3A_169) -> (i32)  : i32 {
        %mul3A_287 = arith.constant 2 : i32
        %mul3A_288 = arith.muli %scan3A_285, %mul3A_287 : i32
        %mul3A_289 = arith.constant 16 : i32
        %mul3A_290 = arith.muli %mul3A_288, %mul3A_289 : i32
        %get3A = arith.index_cast %mul3A_290 : i32 to index
        %get3A_291 = tpu.vector_load %arg11[%get3A] {strides = array<i32>} : memref<512xi32, #tpu.memory_space<vmem>>, vector<16xi32>,
        %mul3A_292 = arith.constant 5 : i32
        %mul3A_293 = vector.broadcast %mul3A_292 : i32 to vector<16xi32>
        %mul3A_294 = arith.muli %get3A_291, %mul3A_293 : vector<16xi32>
        %mul3A_295 = arith.constant 16 : i32
        %mul3A_296 = arith.muli %mul3A_288, %mul3A_295 : i32
        %get3A_297 = arith.index_cast %mul3A_296 : i32 to index
        %get3A_298 = tpu.vector_load %arg13[%get3A_297] {strides = array<i32>} : memref<512xi32, #tpu.memory_space<vmem>>, vector<16xi32>,
        %mul3A_299 = arith.constant 5 : i32
        %mul3A_300 = vector.broadcast %mul3A_299 : i32 to vector<16xi32>
        %mul3A_301 = arith.muli %get3A_298, %mul3A_300 : vector<16xi32>
        %mul3A_302 = arith.constant 16 : i32
        %mul3A_303 = arith.muli %mul3A_288, %mul3A_302 : i32
        %iota3A = tpu.iota {dimensions = array<i32: 0>} : vector<16xi32>
        %add3A_304 = vector.broadcast %mul3A_303 : i32 to vector<16xi32>
        %add3A_305 = arith.addi %add3A_304, %iota3A : vector<16xi32>
        %add3A_306 = arith.constant 0 : i32
        %add3A_307 = vector.broadcast %add3A_306 : i32 to vector<16xi32>
        %add3A_308 = arith.addi %mul3A_294, %add3A_307 : vector<16xi32>
        %gather3A = tpu.vector_load_idx %arg19[%add3A_308] : memref<2000xf32, #tpu.memory_space<vmem>>[vector<16xi32>], vector<16xf32>,
        %broadcast_in_dim3A = arith.constant 50 : i32
        %broadcast_in_dim3A_309 = vector.broadcast %broadcast_in_dim3A : i32 to vector<16xi32>
        tpu.vector_store_idx %arg15[%add3A_305, %broadcast_in_dim3A_309], %gather3A : memref<512x64xf32, #tpu.memory_space<vmem>>[vector<16xi32>, vector<16xi32>], vector<16xf32>,
        %add3A_310 = arith.constant 1 : i32
        %add3A_311 = vector.broadcast %add3A_310 : i32 to vector<16xi32>
        %add3A_312 = arith.addi %mul3A_294, %add3A_311 : vector<16xi32>
        %gather3A_313 = tpu.vector_load_idx %arg19[%add3A_312] : memref<2000xf32, #tpu.memory_space<vmem>>[vector<16xi32>], vector<16xf32>,
        %broadcast_in_dim3A_314 = arith.constant 51 : i32
        %broadcast_in_dim3A_315 = vector.broadcast %broadcast_in_dim3A_314 : i32 to vector<16xi32>
        tpu.vector_store_idx %arg15[%add3A_305, %broadcast_in_dim3A_315], %gather3A_313 : memref<512x64xf32, #tpu.memory_space<vmem>>[vector<16xi32>, vector<16xi32>], vector<16xf32>,
        %add3A_316 = arith.constant 2 : i32
        %add3A_317 = vector.broadcast %add3A_316 : i32 to vector<16xi32>
        %add3A_318 = arith.addi %mul3A_294, %add3A_317 : vector<16xi32>
        %gather3A_319 = tpu.vector_load_idx %arg19[%add3A_318] : memref<2000xf32, #tpu.memory_space<vmem>>[vector<16xi32>], vector<16xf32>,
        %broadcast_in_dim3A_320 = arith.constant 52 : i32
        %broadcast_in_dim3A_321 = vector.broadcast %broadcast_in_dim3A_320 : i32 to vector<16xi32>
        tpu.vector_store_idx %arg15[%add3A_305, %broadcast_in_dim3A_321], %gather3A_319 : memref<512x64xf32, #tpu.memory_space<vmem>>[vector<16xi32>, vector<16xi32>], vector<16xf32>,
        %add3A_322 = arith.constant 3 : i32
        %add3A_323 = vector.broadcast %add3A_322 : i32 to vector<16xi32>
        %add3A_324 = arith.addi %mul3A_294, %add3A_323 : vector<16xi32>
        %gather3A_325 = tpu.vector_load_idx %arg19[%add3A_324] : memref<2000xf32, #tpu.memory_space<vmem>>[vector<16xi32>], vector<16xf32>,
        %broadcast_in_dim3A_326 = arith.constant 53 : i32
        %broadcast_in_dim3A_327 = vector.broadcast %broadcast_in_dim3A_326 : i32 to vector<16xi32>
        tpu.vector_store_idx %arg15[%add3A_305, %broadcast_in_dim3A_327], %gather3A_325 : memref<512x64xf32, #tpu.memory_space<vmem>>[vector<16xi32>, vector<16xi32>], vector<16xf32>,
        %add3A_328 = arith.constant 4 : i32
        %add3A_329 = vector.broadcast %add3A_328 : i32 to vector<16xi32>
        %add3A_330 = arith.addi %mul3A_294, %add3A_329 : vector<16xi32>
        %gather3A_331 = tpu.vector_load_idx %arg19[%add3A_330] : memref<2000xf32, #tpu.memory_space<vmem>>[vector<16xi32>], vector<16xf32>,
        %broadcast_in_dim3A_332 = arith.constant 54 : i32
        %broadcast_in_dim3A_333 = vector.broadcast %broadcast_in_dim3A_332 : i32 to vector<16xi32>
        tpu.vector_store_idx %arg15[%add3A_305, %broadcast_in_dim3A_333], %gather3A_331 : memref<512x64xf32, #tpu.memory_space<vmem>>[vector<16xi32>, vector<16xi32>], vector<16xf32>,
        %add3A_334 = arith.constant 0 : i32
        %add3A_335 = vector.broadcast %add3A_334 : i32 to vector<16xi32>
        %add3A_336 = arith.addi %mul3A_301, %add3A_335 : vector<16xi32>
        %gather3A_337 = tpu.vector_load_idx %arg20[%add3A_336] : memref<2000xf32, #tpu.memory_space<vmem>>[vector<16xi32>], vector<16xf32>,
        %broadcast_in_dim3A_338 = arith.constant 55 : i32
        %broadcast_in_dim3A_339 = vector.broadcast %broadcast_in_dim3A_338 : i32 to vector<16xi32>
        tpu.vector_store_idx %arg15[%add3A_305, %broadcast_in_dim3A_339], %gather3A_337 : memref<512x64xf32, #tpu.memory_space<vmem>>[vector<16xi32>, vector<16xi32>], vector<16xf32>,
        %add3A_340 = arith.constant 1 : i32
        %add3A_341 = vector.broadcast %add3A_340 : i32 to vector<16xi32>
        %add3A_342 = arith.addi %mul3A_301, %add3A_341 : vector<16xi32>
        %gather3A_343 = tpu.vector_load_idx %arg20[%add3A_342] : memref<2000xf32, #tpu.memory_space<vmem>>[vector<16xi32>], vector<16xf32>,
        %broadcast_in_dim3A_344 = arith.constant 0 : i32
        %broadcast_in_dim3A_345 = vector.broadcast %broadcast_in_dim3A_344 : i32 to vector<16xi32>
        tpu.vector_store_idx %arg17[%add3A_305, %broadcast_in_dim3A_345], %gather3A_343 : memref<512x4xf32, #tpu.memory_space<vmem>>[vector<16xi32>, vector<16xi32>], vector<16xf32>,
        %add3A_346 = arith.constant 2 : i32
        %add3A_347 = vector.broadcast %add3A_346 : i32 to vector<16xi32>
        %add3A_348 = arith.addi %mul3A_301, %add3A_347 : vector<16xi32>
        %gather3A_349 = tpu.vector_load_idx %arg20[%add3A_348] : memref<2000xf32, #tpu.memory_space<vmem>>[vector<16xi32>], vector<16xf32>,
        %broadcast_in_dim3A_350 = arith.constant 1 : i32
        %broadcast_in_dim3A_351 = vector.broadcast %broadcast_in_dim3A_350 : i32 to vector<16xi32>
        tpu.vector_store_idx %arg17[%add3A_305, %broadcast_in_dim3A_351], %gather3A_349 : memref<512x4xf32, #tpu.memory_space<vmem>>[vector<16xi32>, vector<16xi32>], vector<16xf32>,
        %add3A_352 = arith.constant 3 : i32
        %add3A_353 = vector.broadcast %add3A_352 : i32 to vector<16xi32>
        %add3A_354 = arith.addi %mul3A_301, %add3A_353 : vector<16xi32>
        %gather3A_355 = tpu.vector_load_idx %arg20[%add3A_354] : memref<2000xf32, #tpu.memory_space<vmem>>[vector<16xi32>], vector<16xf32>,
        %broadcast_in_dim3A_356 = arith.constant 2 : i32
        %broadcast_in_dim3A_357 = vector.broadcast %broadcast_in_dim3A_356 : i32 to vector<16xi32>
        tpu.vector_store_idx %arg17[%add3A_305, %broadcast_in_dim3A_357], %gather3A_355 : memref<512x4xf32, #tpu.memory_space<vmem>>[vector<16xi32>, vector<16xi32>], vector<16xf32>,
        %add3A_358 = arith.constant 4 : i32
        %add3A_359 = vector.broadcast %add3A_358 : i32 to vector<16xi32>
        %add3A_360 = arith.addi %mul3A_301, %add3A_359 : vector<16xi32>
        %gather3A_361 = tpu.vector_load_idx %arg20[%add3A_360] : memref<2000xf32, #tpu.memory_space<vmem>>[vector<16xi32>], vector<16xf32>,
        %broadcast_in_dim3A_362 = arith.constant 3 : i32
        %broadcast_in_dim3A_363 = vector.broadcast %broadcast_in_dim3A_362 : i32 to vector<16xi32>
        tpu.vector_store_idx %arg17[%add3A_305, %broadcast_in_dim3A_363], %gather3A_361 : memref<512x4xf32, #tpu.memory_space<vmem>>[vector<16xi32>, vector<16xi32>], vector<16xf32>,
        %mul3A_364 = arith.constant 2 : i32
        %mul3A_365 = arith.muli %scan3A_285, %mul3A_364 : i32
        %add3A_366 = arith.constant 1 : i32
        %add3A_367 = arith.addi %mul3A_365, %add3A_366 : i32
        %mul3A_368 = arith.constant 16 : i32
        %mul3A_369 = arith.muli %add3A_367, %mul3A_368 : i32
        %get3A_370 = arith.index_cast %mul3A_369 : i32 to index
        %get3A_371 = tpu.vector_load %arg11[%get3A_370] {strides = array<i32>} : memref<512xi32, #tpu.memory_space<vmem>>, vector<16xi32>,
        %mul3A_372 = arith.constant 5 : i32
        %mul3A_373 = vector.broadcast %mul3A_372 : i32 to vector<16xi32>
        %mul3A_374 = arith.muli %get3A_371, %mul3A_373 : vector<16xi32>
        %mul3A_375 = arith.constant 16 : i32
        %mul3A_376 = arith.muli %add3A_367, %mul3A_375 : i32
        %get3A_377 = arith.index_cast %mul3A_376 : i32 to index
        %get3A_378 = tpu.vector_load %arg13[%get3A_377] {strides = array<i32>} : memref<512xi32, #tpu.memory_space<vmem>>, vector<16xi32>,
        %mul3A_379 = arith.constant 5 : i32
        %mul3A_380 = vector.broadcast %mul3A_379 : i32 to vector<16xi32>
        %mul3A_381 = arith.muli %get3A_378, %mul3A_380 : vector<16xi32>
        %mul3A_382 = arith.constant 16 : i32
        %mul3A_383 = arith.muli %add3A_367, %mul3A_382 : i32
        %iota3A_384 = tpu.iota {dimensions = array<i32: 0>} : vector<16xi32>
        %add3A_385 = vector.broadcast %mul3A_383 : i32 to vector<16xi32>
        %add3A_386 = arith.addi %add3A_385, %iota3A_384 : vector<16xi32>
        %add3A_387 = arith.constant 0 : i32
        %add3A_388 = vector.broadcast %add3A_387 : i32 to vector<16xi32>
        %add3A_389 = arith.addi %mul3A_374, %add3A_388 : vector<16xi32>
        %gather3A_390 = tpu.vector_load_idx %arg19[%add3A_389] : memref<2000xf32, #tpu.memory_space<vmem>>[vector<16xi32>], vector<16xf32>,
        %broadcast_in_dim3A_391 = arith.constant 50 : i32
        %broadcast_in_dim3A_392 = vector.broadcast %broadcast_in_dim3A_391 : i32 to vector<16xi32>
        tpu.vector_store_idx %arg15[%add3A_386, %broadcast_in_dim3A_392], %gather3A_390 : memref<512x64xf32, #tpu.memory_space<vmem>>[vector<16xi32>, vector<16xi32>], vector<16xf32>,
        %add3A_393 = arith.constant 1 : i32
        %add3A_394 = vector.broadcast %add3A_393 : i32 to vector<16xi32>
        %add3A_395 = arith.addi %mul3A_374, %add3A_394 : vector<16xi32>
        %gather3A_396 = tpu.vector_load_idx %arg19[%add3A_395] : memref<2000xf32, #tpu.memory_space<vmem>>[vector<16xi32>], vector<16xf32>,
        %broadcast_in_dim3A_397 = arith.constant 51 : i32
        %broadcast_in_dim3A_398 = vector.broadcast %broadcast_in_dim3A_397 : i32 to vector<16xi32>
        tpu.vector_store_idx %arg15[%add3A_386, %broadcast_in_dim3A_398], %gather3A_396 : memref<512x64xf32, #tpu.memory_space<vmem>>[vector<16xi32>, vector<16xi32>], vector<16xf32>,
        %add3A_399 = arith.constant 2 : i32
        %add3A_400 = vector.broadcast %add3A_399 : i32 to vector<16xi32>
        %add3A_401 = arith.addi %mul3A_374, %add3A_400 : vector<16xi32>
        %gather3A_402 = tpu.vector_load_idx %arg19[%add3A_401] : memref<2000xf32, #tpu.memory_space<vmem>>[vector<16xi32>], vector<16xf32>,
        %broadcast_in_dim3A_403 = arith.constant 52 : i32
        %broadcast_in_dim3A_404 = vector.broadcast %broadcast_in_dim3A_403 : i32 to vector<16xi32>
        tpu.vector_store_idx %arg15[%add3A_386, %broadcast_in_dim3A_404], %gather3A_402 : memref<512x64xf32, #tpu.memory_space<vmem>>[vector<16xi32>, vector<16xi32>], vector<16xf32>,
        %add3A_405 = arith.constant 3 : i32
        %add3A_406 = vector.broadcast %add3A_405 : i32 to vector<16xi32>
        %add3A_407 = arith.addi %mul3A_374, %add3A_406 : vector<16xi32>
        %gather3A_408 = tpu.vector_load_idx %arg19[%add3A_407] : memref<2000xf32, #tpu.memory_space<vmem>>[vector<16xi32>], vector<16xf32>,
        %broadcast_in_dim3A_409 = arith.constant 53 : i32
        %broadcast_in_dim3A_410 = vector.broadcast %broadcast_in_dim3A_409 : i32 to vector<16xi32>
        tpu.vector_store_idx %arg15[%add3A_386, %broadcast_in_dim3A_410], %gather3A_408 : memref<512x64xf32, #tpu.memory_space<vmem>>[vector<16xi32>, vector<16xi32>], vector<16xf32>,
        %add3A_411 = arith.constant 4 : i32
        %add3A_412 = vector.broadcast %add3A_411 : i32 to vector<16xi32>
        %add3A_413 = arith.addi %mul3A_374, %add3A_412 : vector<16xi32>
        %gather3A_414 = tpu.vector_load_idx %arg19[%add3A_413] : memref<2000xf32, #tpu.memory_space<vmem>>[vector<16xi32>], vector<16xf32>,
        %broadcast_in_dim3A_415 = arith.constant 54 : i32
        %broadcast_in_dim3A_416 = vector.broadcast %broadcast_in_dim3A_415 : i32 to vector<16xi32>
        tpu.vector_store_idx %arg15[%add3A_386, %broadcast_in_dim3A_416], %gather3A_414 : memref<512x64xf32, #tpu.memory_space<vmem>>[vector<16xi32>, vector<16xi32>], vector<16xf32>,
        %add3A_417 = arith.constant 0 : i32
        %add3A_418 = vector.broadcast %add3A_417 : i32 to vector<16xi32>
        %add3A_419 = arith.addi %mul3A_381, %add3A_418 : vector<16xi32>
        %gather3A_420 = tpu.vector_load_idx %arg20[%add3A_419] : memref<2000xf32, #tpu.memory_space<vmem>>[vector<16xi32>], vector<16xf32>,
        %broadcast_in_dim3A_421 = arith.constant 55 : i32
        %broadcast_in_dim3A_422 = vector.broadcast %broadcast_in_dim3A_421 : i32 to vector<16xi32>
        tpu.vector_store_idx %arg15[%add3A_386, %broadcast_in_dim3A_422], %gather3A_420 : memref<512x64xf32, #tpu.memory_space<vmem>>[vector<16xi32>, vector<16xi32>], vector<16xf32>,
        %add3A_423 = arith.constant 1 : i32
        %add3A_424 = vector.broadcast %add3A_423 : i32 to vector<16xi32>
        %add3A_425 = arith.addi %mul3A_381, %add3A_424 : vector<16xi32>
        %gather3A_426 = tpu.vector_load_idx %arg20[%add3A_425] : memref<2000xf32, #tpu.memory_space<vmem>>[vector<16xi32>], vector<16xf32>,
        %broadcast_in_dim3A_427 = arith.constant 0 : i32
        %broadcast_in_dim3A_428 = vector.broadcast %broadcast_in_dim3A_427 : i32 to vector<16xi32>
        tpu.vector_store_idx %arg17[%add3A_386, %broadcast_in_dim3A_428], %gather3A_426 : memref<512x4xf32, #tpu.memory_space<vmem>>[vector<16xi32>, vector<16xi32>], vector<16xf32>,
        %add3A_429 = arith.constant 2 : i32
        %add3A_430 = vector.broadcast %add3A_429 : i32 to vector<16xi32>
        %add3A_431 = arith.addi %mul3A_381, %add3A_430 : vector<16xi32>
        %gather3A_432 = tpu.vector_load_idx %arg20[%add3A_431] : memref<2000xf32, #tpu.memory_space<vmem>>[vector<16xi32>], vector<16xf32>,
        %broadcast_in_dim3A_433 = arith.constant 1 : i32
        %broadcast_in_dim3A_434 = vector.broadcast %broadcast_in_dim3A_433 : i32 to vector<16xi32>
        tpu.vector_store_idx %arg17[%add3A_386, %broadcast_in_dim3A_434], %gather3A_432 : memref<512x4xf32, #tpu.memory_space<vmem>>[vector<16xi32>, vector<16xi32>], vector<16xf32>,
        %add3A_435 = arith.constant 3 : i32
        %add3A_436 = vector.broadcast %add3A_435 : i32 to vector<16xi32>
        %add3A_437 = arith.addi %mul3A_381, %add3A_436 : vector<16xi32>
        %gather3A_438 = tpu.vector_load_idx %arg20[%add3A_437] : memref<2000xf32, #tpu.memory_space<vmem>>[vector<16xi32>], vector<16xf32>,
        %broadcast_in_dim3A_439 = arith.constant 2 : i32
        %broadcast_in_dim3A_440 = vector.broadcast %broadcast_in_dim3A_439 : i32 to vector<16xi32>
        tpu.vector_store_idx %arg17[%add3A_386, %broadcast_in_dim3A_440], %gather3A_438 : memref<512x4xf32, #tpu.memory_space<vmem>>[vector<16xi32>, vector<16xi32>], vector<16xf32>,
        %add3A_441 = arith.constant 4 : i32
        %add3A_442 = vector.broadcast %add3A_441 : i32 to vector<16xi32>
        %add3A_443 = arith.addi %mul3A_381, %add3A_442 : vector<16xi32>
        %gather3A_444 = tpu.vector_load_idx %arg20[%add3A_443] : memref<2000xf32, #tpu.memory_space<vmem>>[vector<16xi32>], vector<16xf32>,
        %broadcast_in_dim3A_445 = arith.constant 3 : i32
        %broadcast_in_dim3A_446 = vector.broadcast %broadcast_in_dim3A_445 : i32 to vector<16xi32>
        tpu.vector_store_idx %arg17[%add3A_386, %broadcast_in_dim3A_446], %gather3A_444 : memref<512x4xf32, #tpu.memory_space<vmem>>[vector<16xi32>, vector<16xi32>], vector<16xf32>,
        %scan3A_447 = arith.constant 0 : i32
        scf.yield %scan3A_447 : i32
      }
      %scan3A_175 = arith.constant 16 : i32
      %mul3A_176 = arith.constant 4 : i32
      %mul3A_177 = arith.muli %mul3A_124, %mul3A_176 : i32
      %add3A_178 = arith.addi %add3A_4, %mul3A_177 : i32
      %mul3A_179 = arith.constant 128 : i32
      %mul3A_180 = arith.muli %add3A_178, %mul3A_179 : i32
      %dma_start3A_181 = arith.constant 0 : i32
      %dma_start3A_182 = arith.constant 0 : i32
      %dma_start3A_183 = tpu.memref_slice %arg15[%dma_start3A_181, %dma_start3A_182] : memref<512x64xf32, #tpu.memory_space<vmem>> -> memref<512x56xf32, #tpu.memory_space<vmem>>
      %dma_start3A_184 = arith.constant 0 : i32
      %dma_start3A_185 = tpu.memref_slice %arg8[%mul3A_180, %dma_start3A_184] : memref<819200x60xf32, #tpu.memory_space<hbm>> -> memref<512x56xf32, #tpu.memory_space<hbm>>
      %dma_start3A_186 = arith.constant 0 : i32
      %dma_start3A_187 = tpu.memref_slice %arg8[%mul3A_180, %dma_start3A_186] : memref<819200x60xf32, #tpu.memory_space<hbm>> -> memref<512x56xf32, #tpu.memory_space<hbm>>
      %dma_start3A_188 = arith.constant 0 : i32
      %dma_start3A_189 = arith.constant 0 : i32
      %dma_start3A_190 = tpu.memref_slice %arg15[%dma_start3A_188, %dma_start3A_189] : memref<512x64xf32, #tpu.memory_space<vmem>> -> memref<512x56xf32, #tpu.memory_space<vmem>>
      tpu.enqueue_dma source(%dma_start3A_190 : memref<512x56xf32, #tpu.memory_space<vmem>>) target(%dma_start3A_187 : memref<512x56xf32, #tpu.memory_space<hbm>>) target_semaphore(%arg23 : memref<!tpu.dma_semaphore, #tpu.memory_space<semaphore_mem>>)
      %dma_start3A_191 = arith.constant 56 : i32
      %dma_start3A_192 = tpu.memref_slice %arg8[%mul3A_180, %dma_start3A_191] : memref<819200x60xf32, #tpu.memory_space<hbm>> -> memref<512x4xf32, #tpu.memory_space<hbm>>
      %dma_start3A_193 = arith.constant 56 : i32
      %dma_start3A_194 = tpu.memref_slice %arg8[%mul3A_180, %dma_start3A_193] : memref<819200x60xf32, #tpu.memory_space<hbm>> -> memref<512x4xf32, #tpu.memory_space<hbm>>
      tpu.enqueue_dma source(%arg17 : memref<512x4xf32, #tpu.memory_space<vmem>>) target(%dma_start3A_194 : memref<512x4xf32, #tpu.memory_space<hbm>>) target_semaphore(%arg23 : memref<!tpu.dma_semaphore, #tpu.memory_space<semaphore_mem>>)
      %add3A_195 = arith.constant 2 : i32
      %add3A_196 = arith.addi %mul3A_124, %add3A_195 : i32
      %lt3A_197 = arith.constant 50 : i32
      %lt3A_198 = arith.cmpi slt, %add3A_196, %lt3A_197 : i32
      %convert_element_type3A_199 = arith.extui %lt3A_198 : i1 to i32
      %cond3A_200 = arith.constant 0 : i32
      %cond3A_201 = arith.cmpi ne, %convert_element_type3A_199, %cond3A_200 : i32
      scf.if %cond3A_201 {
        %add3A_285 = arith.constant 2 : i32
        %add3A_286 = arith.addi %mul3A_124, %add3A_285 : i32
        %mul3A_287 = arith.constant 4 : i32
        %mul3A_288 = arith.muli %add3A_286, %mul3A_287 : i32
        %add3A_289 = arith.addi %add3A_4, %mul3A_288 : i32
        %mul3A_290 = arith.constant 128 : i32
        %mul3A_291 = arith.muli %add3A_289, %mul3A_290 : i32
        %dma_start3A_292 = arith.constant 0 : i32
        %dma_start3A_293 = tpu.memref_slice %arg3[%add3A_289, %dma_start3A_292] : memref<6400x128xi32, #tpu.memory_space<hbm>> -> memref<4x128xi32, #tpu.memory_space<hbm>>
        %dma_start3A_294 = arith.constant 0 : i32
        %dma_start3A_295 = tpu.memref_slice %arg3[%add3A_289, %dma_start3A_294] : memref<6400x128xi32, #tpu.memory_space<hbm>> -> memref<4x128xi32, #tpu.memory_space<hbm>>
        tpu.enqueue_dma source(%dma_start3A_295 : memref<4x128xi32, #tpu.memory_space<hbm>>) target(%arg9 : memref<4x128xi32, #tpu.memory_space<vmem>>) target_semaphore(%arg25 : memref<!tpu.dma_semaphore, #tpu.memory_space<semaphore_mem>>)
        %dma_start3A_296 = tpu.memref_slice %arg4[%mul3A_291] : memref<819200xi32, #tpu.memory_space<hbm>> -> memref<512xi32, #tpu.memory_space<hbm>>
        %dma_start3A_297 = tpu.memref_slice %arg4[%mul3A_291] : memref<819200xi32, #tpu.memory_space<hbm>> -> memref<512xi32, #tpu.memory_space<hbm>>
        tpu.enqueue_dma source(%dma_start3A_297 : memref<512xi32, #tpu.memory_space<hbm>>) target(%arg11 : memref<512xi32, #tpu.memory_space<vmem>>) target_semaphore(%arg25 : memref<!tpu.dma_semaphore, #tpu.memory_space<semaphore_mem>>)
        %dma_start3A_298 = tpu.memref_slice %arg5[%mul3A_291] : memref<819200xi32, #tpu.memory_space<hbm>> -> memref<512xi32, #tpu.memory_space<hbm>>
        %dma_start3A_299 = tpu.memref_slice %arg5[%mul3A_291] : memref<819200xi32, #tpu.memory_space<hbm>> -> memref<512xi32, #tpu.memory_space<hbm>>
        tpu.enqueue_dma source(%dma_start3A_299 : memref<512xi32, #tpu.memory_space<hbm>>) target(%arg13 : memref<512xi32, #tpu.memory_space<vmem>>) target_semaphore(%arg25 : memref<!tpu.dma_semaphore, #tpu.memory_space<semaphore_mem>>)
      } else {
      }
      %add3A_202 = arith.constant 1 : i32
      %add3A_203 = arith.addi %mul3A_124, %add3A_202 : i32
      %add3A_204 = arith.constant 1 : i32
      %add3A_205 = arith.addi %add3A_203, %add3A_204 : i32
      %lt3A_206 = arith.constant 50 : i32
      %lt3A_207 = arith.cmpi slt, %add3A_205, %lt3A_206 : i32
      %dma_wait3A_208 = arith.constant 0 : i32
      %dma_wait3A_209 = arith.constant 0 : i32
      %dma_wait3A_210 = arith.constant 0 : i32
      %dma_wait3A_211 = tpu.memref_slice %arg16[%dma_wait3A_209, %dma_wait3A_210] : memref<512x64xf32, #tpu.memory_space<vmem>> -> memref<128x64xf32, #tpu.memory_space<vmem>>
      %dma_wait3A_212 = arith.constant 0 : i32
      %dma_wait3A_213 = tpu.memref_slice %arg10[%dma_wait3A_208, %dma_wait3A_212] : memref<4x128xi32, #tpu.memory_space<vmem>> -> memref<1x128xi32, #tpu.memory_space<vmem>>
      %dma_wait3A_214 = tpu.memref_squeeze %dma_wait3A_213 : memref<1x128xi32, #tpu.memory_space<vmem>> -> memref<128xi32, #tpu.memory_space<vmem>>
      %dma_wait3A_215 = arith.constant 0 : i32
      %dma_wait3A_216 = arith.constant 0 : i32
      %dma_wait3A_217 = tpu.memref_slice %arg2[%dma_wait3A_215, %dma_wait3A_216] : memref<100000x64xf32, #tpu.memory_space<hbm>> -> memref<100000x64xf32, #tpu.memory_space<hbm>>
      tpu.wait_indirect_dma semaphore(%arg22 : memref<!tpu.dma_semaphore, #tpu.memory_space<semaphore_mem>>) src(%dma_wait3A_217 : memref<100000x64xf32, #tpu.memory_space<hbm>>) dst(%dma_wait3A_211 : memref<128x64xf32, #tpu.memory_space<vmem>>)
      %dma_wait3A_218 = arith.constant 1 : i32
      %dma_wait3A_219 = arith.constant 128 : i32
      %dma_wait3A_220 = arith.constant 0 : i32
      %dma_wait3A_221 = tpu.memref_slice %arg16[%dma_wait3A_219, %dma_wait3A_220] : memref<512x64xf32, #tpu.memory_space<vmem>> -> memref<128x64xf32, #tpu.memory_space<vmem>>
      %dma_wait3A_222 = arith.constant 0 : i32
      %dma_wait3A_223 = tpu.memref_slice %arg10[%dma_wait3A_218, %dma_wait3A_222] : memref<4x128xi32, #tpu.memory_space<vmem>> -> memref<1x128xi32, #tpu.memory_space<vmem>>
      %dma_wait3A_224 = tpu.memref_squeeze %dma_wait3A_223 : memref<1x128xi32, #tpu.memory_space<vmem>> -> memref<128xi32, #tpu.memory_space<vmem>>
      %dma_wait3A_225 = arith.constant 0 : i32
      %dma_wait3A_226 = arith.constant 0 : i32
      %dma_wait3A_227 = tpu.memref_slice %arg2[%dma_wait3A_225, %dma_wait3A_226] : memref<100000x64xf32, #tpu.memory_space<hbm>> -> memref<100000x64xf32, #tpu.memory_space<hbm>>
      tpu.wait_indirect_dma semaphore(%arg22 : memref<!tpu.dma_semaphore, #tpu.memory_space<semaphore_mem>>) src(%dma_wait3A_227 : memref<100000x64xf32, #tpu.memory_space<hbm>>) dst(%dma_wait3A_221 : memref<128x64xf32, #tpu.memory_space<vmem>>)
      %dma_wait3A_228 = arith.constant 2 : i32
      %dma_wait3A_229 = arith.constant 256 : i32
      %dma_wait3A_230 = arith.constant 0 : i32
      %dma_wait3A_231 = tpu.memref_slice %arg16[%dma_wait3A_229, %dma_wait3A_230] : memref<512x64xf32, #tpu.memory_space<vmem>> -> memref<128x64xf32, #tpu.memory_space<vmem>>
      %dma_wait3A_232 = arith.constant 0 : i32
      %dma_wait3A_233 = tpu.memref_slice %arg10[%dma_wait3A_228, %dma_wait3A_232] : memref<4x128xi32, #tpu.memory_space<vmem>> -> memref<1x128xi32, #tpu.memory_space<vmem>>
      %dma_wait3A_234 = tpu.memref_squeeze %dma_wait3A_233 : memref<1x128xi32, #tpu.memory_space<vmem>> -> memref<128xi32, #tpu.memory_space<vmem>>
      %dma_wait3A_235 = arith.constant 0 : i32
      %dma_wait3A_236 = arith.constant 0 : i32
      %dma_wait3A_237 = tpu.memref_slice %arg2[%dma_wait3A_235, %dma_wait3A_236] : memref<100000x64xf32, #tpu.memory_space<hbm>> -> memref<100000x64xf32, #tpu.memory_space<hbm>>
      tpu.wait_indirect_dma semaphore(%arg22 : memref<!tpu.dma_semaphore, #tpu.memory_space<semaphore_mem>>) src(%dma_wait3A_237 : memref<100000x64xf32, #tpu.memory_space<hbm>>) dst(%dma_wait3A_231 : memref<128x64xf32, #tpu.memory_space<vmem>>)
      %dma_wait3A_238 = arith.constant 3 : i32
      %dma_wait3A_239 = arith.constant 384 : i32
      %dma_wait3A_240 = arith.constant 0 : i32
      %dma_wait3A_241 = tpu.memref_slice %arg16[%dma_wait3A_239, %dma_wait3A_240] : memref<512x64xf32, #tpu.memory_space<vmem>> -> memref<128x64xf32, #tpu.memory_space<vmem>>
      %dma_wait3A_242 = arith.constant 0 : i32
      %dma_wait3A_243 = tpu.memref_slice %arg10[%dma_wait3A_238, %dma_wait3A_242] : memref<4x128xi32, #tpu.memory_space<vmem>> -> memref<1x128xi32, #tpu.memory_space<vmem>>
      %dma_wait3A_244 = tpu.memref_squeeze %dma_wait3A_243 : memref<1x128xi32, #tpu.memory_space<vmem>> -> memref<128xi32, #tpu.memory_space<vmem>>
      %dma_wait3A_245 = arith.constant 0 : i32
      %dma_wait3A_246 = arith.constant 0 : i32
      %dma_wait3A_247 = tpu.memref_slice %arg2[%dma_wait3A_245, %dma_wait3A_246] : memref<100000x64xf32, #tpu.memory_space<hbm>> -> memref<100000x64xf32, #tpu.memory_space<hbm>>
      tpu.wait_indirect_dma semaphore(%arg22 : memref<!tpu.dma_semaphore, #tpu.memory_space<semaphore_mem>>) src(%dma_wait3A_247 : memref<100000x64xf32, #tpu.memory_space<hbm>>) dst(%dma_wait3A_241 : memref<128x64xf32, #tpu.memory_space<vmem>>)
      %convert_element_type3A_248 = arith.extui %lt3A_207 : i1 to i32
      %cond3A_249 = arith.constant 0 : i32
      %cond3A_250 = arith.cmpi ne, %convert_element_type3A_248, %cond3A_249 : i32
      scf.if %cond3A_250 {
        %ge3A = arith.constant 1 : i32
        %ge3A_285 = arith.cmpi sge, %add3A_203, %ge3A : i32
        %convert_element_type3A_286 = arith.extui %ge3A_285 : i1 to i32
        %cond3A_287 = arith.constant 0 : i32
        %cond3A_288 = arith.cmpi ne, %convert_element_type3A_286, %cond3A_287 : i32
        scf.if %cond3A_288 {
          %sub3A = arith.constant 1 : i32
          %sub3A_344 = arith.subi %add3A_203, %sub3A : i32
          %mul3A_345 = arith.constant 4 : i32
          %mul3A_346 = arith.muli %sub3A_344, %mul3A_345 : i32
          %add3A_347 = arith.addi %add3A_4, %mul3A_346 : i32
          %mul3A_348 = arith.constant 128 : i32
          %mul3A_349 = arith.muli %add3A_347, %mul3A_348 : i32
          %dma_wait3A_350 = arith.constant 0 : i32
          %dma_wait3A_351 = arith.constant 0 : i32
          %dma_wait3A_352 = tpu.memref_slice %arg15[%dma_wait3A_350, %dma_wait3A_351] : memref<512x64xf32, #tpu.memory_space<vmem>> -> memref<512x56xf32, #tpu.memory_space<vmem>>
          %dma_wait3A_353 = arith.constant 0 : i32
          %dma_wait3A_354 = tpu.memref_slice %arg8[%mul3A_349, %dma_wait3A_353] : memref<819200x60xf32, #tpu.memory_space<hbm>> -> memref<512x56xf32, #tpu.memory_space<hbm>>
          %dma_wait3A_355 = arith.constant 0 : i32
          %dma_wait3A_356 = tpu.memref_slice %arg8[%mul3A_349, %dma_wait3A_355] : memref<819200x60xf32, #tpu.memory_space<hbm>> -> memref<512x56xf32, #tpu.memory_space<hbm>>
          %dma_wait3A_357 = arith.constant 0 : i32
          %dma_wait3A_358 = arith.constant 0 : i32
          %dma_wait3A_359 = tpu.memref_slice %arg15[%dma_wait3A_357, %dma_wait3A_358] : memref<512x64xf32, #tpu.memory_space<vmem>> -> memref<512x56xf32, #tpu.memory_space<vmem>>
          tpu.wait_dma2 semaphore(%arg23 : memref<!tpu.dma_semaphore, #tpu.memory_space<semaphore_mem>>) src(%dma_wait3A_359 : memref<512x56xf32, #tpu.memory_space<vmem>>) dst(%dma_wait3A_356 : memref<512x56xf32, #tpu.memory_space<hbm>>)
          %dma_wait3A_360 = arith.constant 56 : i32
          %dma_wait3A_361 = tpu.memref_slice %arg8[%mul3A_349, %dma_wait3A_360] : memref<819200x60xf32, #tpu.memory_space<hbm>> -> memref<512x4xf32, #tpu.memory_space<hbm>>
          %dma_wait3A_362 = arith.constant 56 : i32
          %dma_wait3A_363 = tpu.memref_slice %arg8[%mul3A_349, %dma_wait3A_362] : memref<819200x60xf32, #tpu.memory_space<hbm>> -> memref<512x4xf32, #tpu.memory_space<hbm>>
          tpu.wait_dma2 semaphore(%arg23 : memref<!tpu.dma_semaphore, #tpu.memory_space<semaphore_mem>>) src(%arg17 : memref<512x4xf32, #tpu.memory_space<vmem>>) dst(%dma_wait3A_363 : memref<512x4xf32, #tpu.memory_space<hbm>>)
        } else {
        }
        %add3A_289 = arith.constant 1 : i32
        %add3A_290 = arith.addi %add3A_203, %add3A_289 : i32
        %mul3A_291 = arith.constant 4 : i32
        %mul3A_292 = arith.muli %add3A_290, %mul3A_291 : i32
        %add3A_293 = arith.addi %add3A_4, %mul3A_292 : i32
        %mul3A_294 = arith.constant 128 : i32
        %mul3A_295 = arith.muli %add3A_293, %mul3A_294 : i32
        %dma_wait3A_296 = arith.constant 0 : i32
        %dma_wait3A_297 = tpu.memref_slice %arg3[%add3A_293, %dma_wait3A_296] : memref<6400x128xi32, #tpu.memory_space<hbm>> -> memref<4x128xi32, #tpu.memory_space<hbm>>
        %dma_wait3A_298 = arith.constant 0 : i32
        %dma_wait3A_299 = tpu.memref_slice %arg3[%add3A_293, %dma_wait3A_298] : memref<6400x128xi32, #tpu.memory_space<hbm>> -> memref<4x128xi32, #tpu.memory_space<hbm>>
        tpu.wait_dma2 semaphore(%arg25 : memref<!tpu.dma_semaphore, #tpu.memory_space<semaphore_mem>>) src(%dma_wait3A_299 : memref<4x128xi32, #tpu.memory_space<hbm>>) dst(%arg9 : memref<4x128xi32, #tpu.memory_space<vmem>>)
        %dma_wait3A_300 = tpu.memref_slice %arg4[%mul3A_295] : memref<819200xi32, #tpu.memory_space<hbm>> -> memref<512xi32, #tpu.memory_space<hbm>>
        %dma_wait3A_301 = tpu.memref_slice %arg4[%mul3A_295] : memref<819200xi32, #tpu.memory_space<hbm>> -> memref<512xi32, #tpu.memory_space<hbm>>
        tpu.wait_dma2 semaphore(%arg25 : memref<!tpu.dma_semaphore, #tpu.memory_space<semaphore_mem>>) src(%dma_wait3A_301 : memref<512xi32, #tpu.memory_space<hbm>>) dst(%arg11 : memref<512xi32, #tpu.memory_space<vmem>>)
        %dma_wait3A_302 = tpu.memref_slice %arg5[%mul3A_295] : memref<819200xi32, #tpu.memory_space<hbm>> -> memref<512xi32, #tpu.memory_space<hbm>>
        %dma_wait3A_303 = tpu.memref_slice %arg5[%mul3A_295] : memref<819200xi32, #tpu.memory_space<hbm>> -> memref<512xi32, #tpu.memory_space<hbm>>
        tpu.wait_dma2 semaphore(%arg25 : memref<!tpu.dma_semaphore, #tpu.memory_space<semaphore_mem>>) src(%dma_wait3A_303 : memref<512xi32, #tpu.memory_space<hbm>>) dst(%arg13 : memref<512xi32, #tpu.memory_space<vmem>>)
        %dma_start3A_304 = arith.constant 0 : i32
        %dma_start3A_305 = arith.constant 0 : i32
        %dma_start3A_306 = arith.constant 0 : i32
        %dma_start3A_307 = tpu.memref_slice %arg15[%dma_start3A_305, %dma_start3A_306] : memref<512x64xf32, #tpu.memory_space<vmem>> -> memref<128x64xf32, #tpu.memory_space<vmem>>
        %dma_start3A_308 = arith.constant 0 : i32
        %dma_start3A_309 = tpu.memref_slice %arg9[%dma_start3A_304, %dma_start3A_308] : memref<4x128xi32, #tpu.memory_space<vmem>> -> memref<1x128xi32, #tpu.memory_space<vmem>>
        %dma_start3A_310 = tpu.memref_squeeze %dma_start3A_309 : memref<1x128xi32, #tpu.memory_space<vmem>> -> memref<128xi32, #tpu.memory_space<vmem>>
        %dma_start3A_311 = arith.constant 0 : i32
        %dma_start3A_312 = arith.constant 0 : i32
        %dma_start3A_313 = tpu.memref_slice %arg2[%dma_start3A_311, %dma_start3A_312] : memref<100000x64xf32, #tpu.memory_space<hbm>> -> memref<100000x64xf32, #tpu.memory_space<hbm>>
        tpu.enqueue_indirect_dma source(%dma_start3A_313 : memref<100000x64xf32, #tpu.memory_space<hbm>>) target(%dma_start3A_307 : memref<128x64xf32, #tpu.memory_space<vmem>>) offsets(%dma_start3A_310 : memref<128xi32, #tpu.memory_space<vmem>>) semaphore(%arg21 : memref<!tpu.dma_semaphore, #tpu.memory_space<semaphore_mem>>)
        %dma_start3A_314 = arith.constant 1 : i32
        %dma_start3A_315 = arith.constant 128 : i32
        %dma_start3A_316 = arith.constant 0 : i32
        %dma_start3A_317 = tpu.memref_slice %arg15[%dma_start3A_315, %dma_start3A_316] : memref<512x64xf32, #tpu.memory_space<vmem>> -> memref<128x64xf32, #tpu.memory_space<vmem>>
        %dma_start3A_318 = arith.constant 0 : i32
        %dma_start3A_319 = tpu.memref_slice %arg9[%dma_start3A_314, %dma_start3A_318] : memref<4x128xi32, #tpu.memory_space<vmem>> -> memref<1x128xi32, #tpu.memory_space<vmem>>
        %dma_start3A_320 = tpu.memref_squeeze %dma_start3A_319 : memref<1x128xi32, #tpu.memory_space<vmem>> -> memref<128xi32, #tpu.memory_space<vmem>>
        %dma_start3A_321 = arith.constant 0 : i32
        %dma_start3A_322 = arith.constant 0 : i32
        %dma_start3A_323 = tpu.memref_slice %arg2[%dma_start3A_321, %dma_start3A_322] : memref<100000x64xf32, #tpu.memory_space<hbm>> -> memref<100000x64xf32, #tpu.memory_space<hbm>>
        tpu.enqueue_indirect_dma source(%dma_start3A_323 : memref<100000x64xf32, #tpu.memory_space<hbm>>) target(%dma_start3A_317 : memref<128x64xf32, #tpu.memory_space<vmem>>) offsets(%dma_start3A_320 : memref<128xi32, #tpu.memory_space<vmem>>) semaphore(%arg21 : memref<!tpu.dma_semaphore, #tpu.memory_space<semaphore_mem>>)
        %dma_start3A_324 = arith.constant 2 : i32
        %dma_start3A_325 = arith.constant 256 : i32
        %dma_start3A_326 = arith.constant 0 : i32
        %dma_start3A_327 = tpu.memref_slice %arg15[%dma_start3A_325, %dma_start3A_326] : memref<512x64xf32, #tpu.memory_space<vmem>> -> memref<128x64xf32, #tpu.memory_space<vmem>>
        %dma_start3A_328 = arith.constant 0 : i32
        %dma_start3A_329 = tpu.memref_slice %arg9[%dma_start3A_324, %dma_start3A_328] : memref<4x128xi32, #tpu.memory_space<vmem>> -> memref<1x128xi32, #tpu.memory_space<vmem>>
        %dma_start3A_330 = tpu.memref_squeeze %dma_start3A_329 : memref<1x128xi32, #tpu.memory_space<vmem>> -> memref<128xi32, #tpu.memory_space<vmem>>
        %dma_start3A_331 = arith.constant 0 : i32
        %dma_start3A_332 = arith.constant 0 : i32
        %dma_start3A_333 = tpu.memref_slice %arg2[%dma_start3A_331, %dma_start3A_332] : memref<100000x64xf32, #tpu.memory_space<hbm>> -> memref<100000x64xf32, #tpu.memory_space<hbm>>
        tpu.enqueue_indirect_dma source(%dma_start3A_333 : memref<100000x64xf32, #tpu.memory_space<hbm>>) target(%dma_start3A_327 : memref<128x64xf32, #tpu.memory_space<vmem>>) offsets(%dma_start3A_330 : memref<128xi32, #tpu.memory_space<vmem>>) semaphore(%arg21 : memref<!tpu.dma_semaphore, #tpu.memory_space<semaphore_mem>>)
        %dma_start3A_334 = arith.constant 3 : i32
        %dma_start3A_335 = arith.constant 384 : i32
        %dma_start3A_336 = arith.constant 0 : i32
        %dma_start3A_337 = tpu.memref_slice %arg15[%dma_start3A_335, %dma_start3A_336] : memref<512x64xf32, #tpu.memory_space<vmem>> -> memref<128x64xf32, #tpu.memory_space<vmem>>
        %dma_start3A_338 = arith.constant 0 : i32
        %dma_start3A_339 = tpu.memref_slice %arg9[%dma_start3A_334, %dma_start3A_338] : memref<4x128xi32, #tpu.memory_space<vmem>> -> memref<1x128xi32, #tpu.memory_space<vmem>>
        %dma_start3A_340 = tpu.memref_squeeze %dma_start3A_339 : memref<1x128xi32, #tpu.memory_space<vmem>> -> memref<128xi32, #tpu.memory_space<vmem>>
        %dma_start3A_341 = arith.constant 0 : i32
        %dma_start3A_342 = arith.constant 0 : i32
        %dma_start3A_343 = tpu.memref_slice %arg2[%dma_start3A_341, %dma_start3A_342] : memref<100000x64xf32, #tpu.memory_space<hbm>> -> memref<100000x64xf32, #tpu.memory_space<hbm>>
        tpu.enqueue_indirect_dma source(%dma_start3A_343 : memref<100000x64xf32, #tpu.memory_space<hbm>>) target(%dma_start3A_337 : memref<128x64xf32, #tpu.memory_space<vmem>>) offsets(%dma_start3A_340 : memref<128xi32, #tpu.memory_space<vmem>>) semaphore(%arg21 : memref<!tpu.dma_semaphore, #tpu.memory_space<semaphore_mem>>)
      } else {
      }
      %scan3A_251 = arith.constant 0 : i32
      %scan3A_252 = arith.constant 0 : i32
      %scan3A_253 = arith.constant 16 : i32
      %scan3A_254 = arith.addi %scan3A_252, %scan3A_253 : i32
      %scan3A_255 = arith.constant 1 : i32
      %scan3A_256 = scf.for %scan3A_285 = %scan3A_252 to %scan3A_254 step %scan3A_255 iter_args(%scan3A_286 = %scan3A_251) -> (i32)  : i32 {
        %mul3A_287 = arith.constant 2 : i32
        %mul3A_288 = arith.muli %scan3A_285, %mul3A_287 : i32
        %mul3A_289 = arith.constant 16 : i32
        %mul3A_290 = arith.muli %mul3A_288, %mul3A_289 : i32
        %get3A = arith.index_cast %mul3A_290 : i32 to index
        %get3A_291 = tpu.vector_load %arg12[%get3A] {strides = array<i32>} : memref<512xi32, #tpu.memory_space<vmem>>, vector<16xi32>,
        %mul3A_292 = arith.constant 5 : i32
        %mul3A_293 = vector.broadcast %mul3A_292 : i32 to vector<16xi32>
        %mul3A_294 = arith.muli %get3A_291, %mul3A_293 : vector<16xi32>
        %mul3A_295 = arith.constant 16 : i32
        %mul3A_296 = arith.muli %mul3A_288, %mul3A_295 : i32
        %get3A_297 = arith.index_cast %mul3A_296 : i32 to index
        %get3A_298 = tpu.vector_load %arg14[%get3A_297] {strides = array<i32>} : memref<512xi32, #tpu.memory_space<vmem>>, vector<16xi32>,
        %mul3A_299 = arith.constant 5 : i32
        %mul3A_300 = vector.broadcast %mul3A_299 : i32 to vector<16xi32>
        %mul3A_301 = arith.muli %get3A_298, %mul3A_300 : vector<16xi32>
        %mul3A_302 = arith.constant 16 : i32
        %mul3A_303 = arith.muli %mul3A_288, %mul3A_302 : i32
        %iota3A = tpu.iota {dimensions = array<i32: 0>} : vector<16xi32>
        %add3A_304 = vector.broadcast %mul3A_303 : i32 to vector<16xi32>
        %add3A_305 = arith.addi %add3A_304, %iota3A : vector<16xi32>
        %add3A_306 = arith.constant 0 : i32
        %add3A_307 = vector.broadcast %add3A_306 : i32 to vector<16xi32>
        %add3A_308 = arith.addi %mul3A_294, %add3A_307 : vector<16xi32>
        %gather3A = tpu.vector_load_idx %arg19[%add3A_308] : memref<2000xf32, #tpu.memory_space<vmem>>[vector<16xi32>], vector<16xf32>,
        %broadcast_in_dim3A = arith.constant 50 : i32
        %broadcast_in_dim3A_309 = vector.broadcast %broadcast_in_dim3A : i32 to vector<16xi32>
        tpu.vector_store_idx %arg16[%add3A_305, %broadcast_in_dim3A_309], %gather3A : memref<512x64xf32, #tpu.memory_space<vmem>>[vector<16xi32>, vector<16xi32>], vector<16xf32>,
        %add3A_310 = arith.constant 1 : i32
        %add3A_311 = vector.broadcast %add3A_310 : i32 to vector<16xi32>
        %add3A_312 = arith.addi %mul3A_294, %add3A_311 : vector<16xi32>
        %gather3A_313 = tpu.vector_load_idx %arg19[%add3A_312] : memref<2000xf32, #tpu.memory_space<vmem>>[vector<16xi32>], vector<16xf32>,
        %broadcast_in_dim3A_314 = arith.constant 51 : i32
        %broadcast_in_dim3A_315 = vector.broadcast %broadcast_in_dim3A_314 : i32 to vector<16xi32>
        tpu.vector_store_idx %arg16[%add3A_305, %broadcast_in_dim3A_315], %gather3A_313 : memref<512x64xf32, #tpu.memory_space<vmem>>[vector<16xi32>, vector<16xi32>], vector<16xf32>,
        %add3A_316 = arith.constant 2 : i32
        %add3A_317 = vector.broadcast %add3A_316 : i32 to vector<16xi32>
        %add3A_318 = arith.addi %mul3A_294, %add3A_317 : vector<16xi32>
        %gather3A_319 = tpu.vector_load_idx %arg19[%add3A_318] : memref<2000xf32, #tpu.memory_space<vmem>>[vector<16xi32>], vector<16xf32>,
        %broadcast_in_dim3A_320 = arith.constant 52 : i32
        %broadcast_in_dim3A_321 = vector.broadcast %broadcast_in_dim3A_320 : i32 to vector<16xi32>
        tpu.vector_store_idx %arg16[%add3A_305, %broadcast_in_dim3A_321], %gather3A_319 : memref<512x64xf32, #tpu.memory_space<vmem>>[vector<16xi32>, vector<16xi32>], vector<16xf32>,
        %add3A_322 = arith.constant 3 : i32
        %add3A_323 = vector.broadcast %add3A_322 : i32 to vector<16xi32>
        %add3A_324 = arith.addi %mul3A_294, %add3A_323 : vector<16xi32>
        %gather3A_325 = tpu.vector_load_idx %arg19[%add3A_324] : memref<2000xf32, #tpu.memory_space<vmem>>[vector<16xi32>], vector<16xf32>,
        %broadcast_in_dim3A_326 = arith.constant 53 : i32
        %broadcast_in_dim3A_327 = vector.broadcast %broadcast_in_dim3A_326 : i32 to vector<16xi32>
        tpu.vector_store_idx %arg16[%add3A_305, %broadcast_in_dim3A_327], %gather3A_325 : memref<512x64xf32, #tpu.memory_space<vmem>>[vector<16xi32>, vector<16xi32>], vector<16xf32>,
        %add3A_328 = arith.constant 4 : i32
        %add3A_329 = vector.broadcast %add3A_328 : i32 to vector<16xi32>
        %add3A_330 = arith.addi %mul3A_294, %add3A_329 : vector<16xi32>
        %gather3A_331 = tpu.vector_load_idx %arg19[%add3A_330] : memref<2000xf32, #tpu.memory_space<vmem>>[vector<16xi32>], vector<16xf32>,
        %broadcast_in_dim3A_332 = arith.constant 54 : i32
        %broadcast_in_dim3A_333 = vector.broadcast %broadcast_in_dim3A_332 : i32 to vector<16xi32>
        tpu.vector_store_idx %arg16[%add3A_305, %broadcast_in_dim3A_333], %gather3A_331 : memref<512x64xf32, #tpu.memory_space<vmem>>[vector<16xi32>, vector<16xi32>], vector<16xf32>,
        %add3A_334 = arith.constant 0 : i32
        %add3A_335 = vector.broadcast %add3A_334 : i32 to vector<16xi32>
        %add3A_336 = arith.addi %mul3A_301, %add3A_335 : vector<16xi32>
        %gather3A_337 = tpu.vector_load_idx %arg20[%add3A_336] : memref<2000xf32, #tpu.memory_space<vmem>>[vector<16xi32>], vector<16xf32>,
        %broadcast_in_dim3A_338 = arith.constant 55 : i32
        %broadcast_in_dim3A_339 = vector.broadcast %broadcast_in_dim3A_338 : i32 to vector<16xi32>
        tpu.vector_store_idx %arg16[%add3A_305, %broadcast_in_dim3A_339], %gather3A_337 : memref<512x64xf32, #tpu.memory_space<vmem>>[vector<16xi32>, vector<16xi32>], vector<16xf32>,
        %add3A_340 = arith.constant 1 : i32
        %add3A_341 = vector.broadcast %add3A_340 : i32 to vector<16xi32>
        %add3A_342 = arith.addi %mul3A_301, %add3A_341 : vector<16xi32>
        %gather3A_343 = tpu.vector_load_idx %arg20[%add3A_342] : memref<2000xf32, #tpu.memory_space<vmem>>[vector<16xi32>], vector<16xf32>,
        %broadcast_in_dim3A_344 = arith.constant 0 : i32
        %broadcast_in_dim3A_345 = vector.broadcast %broadcast_in_dim3A_344 : i32 to vector<16xi32>
        tpu.vector_store_idx %arg18[%add3A_305, %broadcast_in_dim3A_345], %gather3A_343 : memref<512x4xf32, #tpu.memory_space<vmem>>[vector<16xi32>, vector<16xi32>], vector<16xf32>,
        %add3A_346 = arith.constant 2 : i32
        %add3A_347 = vector.broadcast %add3A_346 : i32 to vector<16xi32>
        %add3A_348 = arith.addi %mul3A_301, %add3A_347 : vector<16xi32>
        %gather3A_349 = tpu.vector_load_idx %arg20[%add3A_348] : memref<2000xf32, #tpu.memory_space<vmem>>[vector<16xi32>], vector<16xf32>,
        %broadcast_in_dim3A_350 = arith.constant 1 : i32
        %broadcast_in_dim3A_351 = vector.broadcast %broadcast_in_dim3A_350 : i32 to vector<16xi32>
        tpu.vector_store_idx %arg18[%add3A_305, %broadcast_in_dim3A_351], %gather3A_349 : memref<512x4xf32, #tpu.memory_space<vmem>>[vector<16xi32>, vector<16xi32>], vector<16xf32>,
        %add3A_352 = arith.constant 3 : i32
        %add3A_353 = vector.broadcast %add3A_352 : i32 to vector<16xi32>
        %add3A_354 = arith.addi %mul3A_301, %add3A_353 : vector<16xi32>
        %gather3A_355 = tpu.vector_load_idx %arg20[%add3A_354] : memref<2000xf32, #tpu.memory_space<vmem>>[vector<16xi32>], vector<16xf32>,
        %broadcast_in_dim3A_356 = arith.constant 2 : i32
        %broadcast_in_dim3A_357 = vector.broadcast %broadcast_in_dim3A_356 : i32 to vector<16xi32>
        tpu.vector_store_idx %arg18[%add3A_305, %broadcast_in_dim3A_357], %gather3A_355 : memref<512x4xf32, #tpu.memory_space<vmem>>[vector<16xi32>, vector<16xi32>], vector<16xf32>,
        %add3A_358 = arith.constant 4 : i32
        %add3A_359 = vector.broadcast %add3A_358 : i32 to vector<16xi32>
        %add3A_360 = arith.addi %mul3A_301, %add3A_359 : vector<16xi32>
        %gather3A_361 = tpu.vector_load_idx %arg20[%add3A_360] : memref<2000xf32, #tpu.memory_space<vmem>>[vector<16xi32>], vector<16xf32>,
        %broadcast_in_dim3A_362 = arith.constant 3 : i32
        %broadcast_in_dim3A_363 = vector.broadcast %broadcast_in_dim3A_362 : i32 to vector<16xi32>
        tpu.vector_store_idx %arg18[%add3A_305, %broadcast_in_dim3A_363], %gather3A_361 : memref<512x4xf32, #tpu.memory_space<vmem>>[vector<16xi32>, vector<16xi32>], vector<16xf32>,
        %mul3A_364 = arith.constant 2 : i32
        %mul3A_365 = arith.muli %scan3A_285, %mul3A_364 : i32
        %add3A_366 = arith.constant 1 : i32
        %add3A_367 = arith.addi %mul3A_365, %add3A_366 : i32
        %mul3A_368 = arith.constant 16 : i32
        %mul3A_369 = arith.muli %add3A_367, %mul3A_368 : i32
        %get3A_370 = arith.index_cast %mul3A_369 : i32 to index
        %get3A_371 = tpu.vector_load %arg12[%get3A_370] {strides = array<i32>} : memref<512xi32, #tpu.memory_space<vmem>>, vector<16xi32>,
        %mul3A_372 = arith.constant 5 : i32
        %mul3A_373 = vector.broadcast %mul3A_372 : i32 to vector<16xi32>
        %mul3A_374 = arith.muli %get3A_371, %mul3A_373 : vector<16xi32>
        %mul3A_375 = arith.constant 16 : i32
        %mul3A_376 = arith.muli %add3A_367, %mul3A_375 : i32
        %get3A_377 = arith.index_cast %mul3A_376 : i32 to index
        %get3A_378 = tpu.vector_load %arg14[%get3A_377] {strides = array<i32>} : memref<512xi32, #tpu.memory_space<vmem>>, vector<16xi32>,
        %mul3A_379 = arith.constant 5 : i32
        %mul3A_380 = vector.broadcast %mul3A_379 : i32 to vector<16xi32>
        %mul3A_381 = arith.muli %get3A_378, %mul3A_380 : vector<16xi32>
        %mul3A_382 = arith.constant 16 : i32
        %mul3A_383 = arith.muli %add3A_367, %mul3A_382 : i32
        %iota3A_384 = tpu.iota {dimensions = array<i32: 0>} : vector<16xi32>
        %add3A_385 = vector.broadcast %mul3A_383 : i32 to vector<16xi32>
        %add3A_386 = arith.addi %add3A_385, %iota3A_384 : vector<16xi32>
        %add3A_387 = arith.constant 0 : i32
        %add3A_388 = vector.broadcast %add3A_387 : i32 to vector<16xi32>
        %add3A_389 = arith.addi %mul3A_374, %add3A_388 : vector<16xi32>
        %gather3A_390 = tpu.vector_load_idx %arg19[%add3A_389] : memref<2000xf32, #tpu.memory_space<vmem>>[vector<16xi32>], vector<16xf32>,
        %broadcast_in_dim3A_391 = arith.constant 50 : i32
        %broadcast_in_dim3A_392 = vector.broadcast %broadcast_in_dim3A_391 : i32 to vector<16xi32>
        tpu.vector_store_idx %arg16[%add3A_386, %broadcast_in_dim3A_392], %gather3A_390 : memref<512x64xf32, #tpu.memory_space<vmem>>[vector<16xi32>, vector<16xi32>], vector<16xf32>,
        %add3A_393 = arith.constant 1 : i32
        %add3A_394 = vector.broadcast %add3A_393 : i32 to vector<16xi32>
        %add3A_395 = arith.addi %mul3A_374, %add3A_394 : vector<16xi32>
        %gather3A_396 = tpu.vector_load_idx %arg19[%add3A_395] : memref<2000xf32, #tpu.memory_space<vmem>>[vector<16xi32>], vector<16xf32>,
        %broadcast_in_dim3A_397 = arith.constant 51 : i32
        %broadcast_in_dim3A_398 = vector.broadcast %broadcast_in_dim3A_397 : i32 to vector<16xi32>
        tpu.vector_store_idx %arg16[%add3A_386, %broadcast_in_dim3A_398], %gather3A_396 : memref<512x64xf32, #tpu.memory_space<vmem>>[vector<16xi32>, vector<16xi32>], vector<16xf32>,
        %add3A_399 = arith.constant 2 : i32
        %add3A_400 = vector.broadcast %add3A_399 : i32 to vector<16xi32>
        %add3A_401 = arith.addi %mul3A_374, %add3A_400 : vector<16xi32>
        %gather3A_402 = tpu.vector_load_idx %arg19[%add3A_401] : memref<2000xf32, #tpu.memory_space<vmem>>[vector<16xi32>], vector<16xf32>,
        %broadcast_in_dim3A_403 = arith.constant 52 : i32
        %broadcast_in_dim3A_404 = vector.broadcast %broadcast_in_dim3A_403 : i32 to vector<16xi32>
        tpu.vector_store_idx %arg16[%add3A_386, %broadcast_in_dim3A_404], %gather3A_402 : memref<512x64xf32, #tpu.memory_space<vmem>>[vector<16xi32>, vector<16xi32>], vector<16xf32>,
        %add3A_405 = arith.constant 3 : i32
        %add3A_406 = vector.broadcast %add3A_405 : i32 to vector<16xi32>
        %add3A_407 = arith.addi %mul3A_374, %add3A_406 : vector<16xi32>
        %gather3A_408 = tpu.vector_load_idx %arg19[%add3A_407] : memref<2000xf32, #tpu.memory_space<vmem>>[vector<16xi32>], vector<16xf32>,
        %broadcast_in_dim3A_409 = arith.constant 53 : i32
        %broadcast_in_dim3A_410 = vector.broadcast %broadcast_in_dim3A_409 : i32 to vector<16xi32>
        tpu.vector_store_idx %arg16[%add3A_386, %broadcast_in_dim3A_410], %gather3A_408 : memref<512x64xf32, #tpu.memory_space<vmem>>[vector<16xi32>, vector<16xi32>], vector<16xf32>,
        %add3A_411 = arith.constant 4 : i32
        %add3A_412 = vector.broadcast %add3A_411 : i32 to vector<16xi32>
        %add3A_413 = arith.addi %mul3A_374, %add3A_412 : vector<16xi32>
        %gather3A_414 = tpu.vector_load_idx %arg19[%add3A_413] : memref<2000xf32, #tpu.memory_space<vmem>>[vector<16xi32>], vector<16xf32>,
        %broadcast_in_dim3A_415 = arith.constant 54 : i32
        %broadcast_in_dim3A_416 = vector.broadcast %broadcast_in_dim3A_415 : i32 to vector<16xi32>
        tpu.vector_store_idx %arg16[%add3A_386, %broadcast_in_dim3A_416], %gather3A_414 : memref<512x64xf32, #tpu.memory_space<vmem>>[vector<16xi32>, vector<16xi32>], vector<16xf32>,
        %add3A_417 = arith.constant 0 : i32
        %add3A_418 = vector.broadcast %add3A_417 : i32 to vector<16xi32>
        %add3A_419 = arith.addi %mul3A_381, %add3A_418 : vector<16xi32>
        %gather3A_420 = tpu.vector_load_idx %arg20[%add3A_419] : memref<2000xf32, #tpu.memory_space<vmem>>[vector<16xi32>], vector<16xf32>,
        %broadcast_in_dim3A_421 = arith.constant 55 : i32
        %broadcast_in_dim3A_422 = vector.broadcast %broadcast_in_dim3A_421 : i32 to vector<16xi32>
        tpu.vector_store_idx %arg16[%add3A_386, %broadcast_in_dim3A_422], %gather3A_420 : memref<512x64xf32, #tpu.memory_space<vmem>>[vector<16xi32>, vector<16xi32>], vector<16xf32>,
        %add3A_423 = arith.constant 1 : i32
        %add3A_424 = vector.broadcast %add3A_423 : i32 to vector<16xi32>
        %add3A_425 = arith.addi %mul3A_381, %add3A_424 : vector<16xi32>
        %gather3A_426 = tpu.vector_load_idx %arg20[%add3A_425] : memref<2000xf32, #tpu.memory_space<vmem>>[vector<16xi32>], vector<16xf32>,
        %broadcast_in_dim3A_427 = arith.constant 0 : i32
        %broadcast_in_dim3A_428 = vector.broadcast %broadcast_in_dim3A_427 : i32 to vector<16xi32>
        tpu.vector_store_idx %arg18[%add3A_386, %broadcast_in_dim3A_428], %gather3A_426 : memref<512x4xf32, #tpu.memory_space<vmem>>[vector<16xi32>, vector<16xi32>], vector<16xf32>,
        %add3A_429 = arith.constant 2 : i32
        %add3A_430 = vector.broadcast %add3A_429 : i32 to vector<16xi32>
        %add3A_431 = arith.addi %mul3A_381, %add3A_430 : vector<16xi32>
        %gather3A_432 = tpu.vector_load_idx %arg20[%add3A_431] : memref<2000xf32, #tpu.memory_space<vmem>>[vector<16xi32>], vector<16xf32>,
        %broadcast_in_dim3A_433 = arith.constant 1 : i32
        %broadcast_in_dim3A_434 = vector.broadcast %broadcast_in_dim3A_433 : i32 to vector<16xi32>
        tpu.vector_store_idx %arg18[%add3A_386, %broadcast_in_dim3A_434], %gather3A_432 : memref<512x4xf32, #tpu.memory_space<vmem>>[vector<16xi32>, vector<16xi32>], vector<16xf32>,
        %add3A_435 = arith.constant 3 : i32
        %add3A_436 = vector.broadcast %add3A_435 : i32 to vector<16xi32>
        %add3A_437 = arith.addi %mul3A_381, %add3A_436 : vector<16xi32>
        %gather3A_438 = tpu.vector_load_idx %arg20[%add3A_437] : memref<2000xf32, #tpu.memory_space<vmem>>[vector<16xi32>], vector<16xf32>,
        %broadcast_in_dim3A_439 = arith.constant 2 : i32
        %broadcast_in_dim3A_440 = vector.broadcast %broadcast_in_dim3A_439 : i32 to vector<16xi32>
        tpu.vector_store_idx %arg18[%add3A_386, %broadcast_in_dim3A_440], %gather3A_438 : memref<512x4xf32, #tpu.memory_space<vmem>>[vector<16xi32>, vector<16xi32>], vector<16xf32>,
        %add3A_441 = arith.constant 4 : i32
        %add3A_442 = vector.broadcast %add3A_441 : i32 to vector<16xi32>
        %add3A_443 = arith.addi %mul3A_381, %add3A_442 : vector<16xi32>
        %gather3A_444 = tpu.vector_load_idx %arg20[%add3A_443] : memref<2000xf32, #tpu.memory_space<vmem>>[vector<16xi32>], vector<16xf32>,
        %broadcast_in_dim3A_445 = arith.constant 3 : i32
        %broadcast_in_dim3A_446 = vector.broadcast %broadcast_in_dim3A_445 : i32 to vector<16xi32>
        tpu.vector_store_idx %arg18[%add3A_386, %broadcast_in_dim3A_446], %gather3A_444 : memref<512x4xf32, #tpu.memory_space<vmem>>[vector<16xi32>, vector<16xi32>], vector<16xf32>,
        %scan3A_447 = arith.constant 0 : i32
        scf.yield %scan3A_447 : i32
      }
      %scan3A_257 = arith.constant 16 : i32
      %mul3A_258 = arith.constant 4 : i32
      %mul3A_259 = arith.muli %add3A_203, %mul3A_258 : i32
      %add3A_260 = arith.addi %add3A_4, %mul3A_259 : i32
      %mul3A_261 = arith.constant 128 : i32
      %mul3A_262 = arith.muli %add3A_260, %mul3A_261 : i32
      %dma_start3A_263 = arith.constant 0 : i32
      %dma_start3A_264 = arith.constant 0 : i32
      %dma_start3A_265 = tpu.memref_slice %arg16[%dma_start3A_263, %dma_start3A_264] : memref<512x64xf32, #tpu.memory_space<vmem>> -> memref<512x56xf32, #tpu.memory_space<vmem>>
      %dma_start3A_266 = arith.constant 0 : i32
      %dma_start3A_267 = tpu.memref_slice %arg8[%mul3A_262, %dma_start3A_266] : memref<819200x60xf32, #tpu.memory_space<hbm>> -> memref<512x56xf32, #tpu.memory_space<hbm>>
      %dma_start3A_268 = arith.constant 0 : i32
      %dma_start3A_269 = tpu.memref_slice %arg8[%mul3A_262, %dma_start3A_268] : memref<819200x60xf32, #tpu.memory_space<hbm>> -> memref<512x56xf32, #tpu.memory_space<hbm>>
      %dma_start3A_270 = arith.constant 0 : i32
      %dma_start3A_271 = arith.constant 0 : i32
      %dma_start3A_272 = tpu.memref_slice %arg16[%dma_start3A_270, %dma_start3A_271] : memref<512x64xf32, #tpu.memory_space<vmem>> -> memref<512x56xf32, #tpu.memory_space<vmem>>
      tpu.enqueue_dma source(%dma_start3A_272 : memref<512x56xf32, #tpu.memory_space<vmem>>) target(%dma_start3A_269 : memref<512x56xf32, #tpu.memory_space<hbm>>) target_semaphore(%arg24 : memref<!tpu.dma_semaphore, #tpu.memory_space<semaphore_mem>>)
      %dma_start3A_273 = arith.constant 56 : i32
      %dma_start3A_274 = tpu.memref_slice %arg8[%mul3A_262, %dma_start3A_273] : memref<819200x60xf32, #tpu.memory_space<hbm>> -> memref<512x4xf32, #tpu.memory_space<hbm>>
      %dma_start3A_275 = arith.constant 56 : i32
      %dma_start3A_276 = tpu.memref_slice %arg8[%mul3A_262, %dma_start3A_275] : memref<819200x60xf32, #tpu.memory_space<hbm>> -> memref<512x4xf32, #tpu.memory_space<hbm>>
      tpu.enqueue_dma source(%arg18 : memref<512x4xf32, #tpu.memory_space<vmem>>) target(%dma_start3A_276 : memref<512x4xf32, #tpu.memory_space<hbm>>) target_semaphore(%arg24 : memref<!tpu.dma_semaphore, #tpu.memory_space<semaphore_mem>>)
      %add3A_277 = arith.constant 2 : i32
      %add3A_278 = arith.addi %add3A_203, %add3A_277 : i32
      %lt3A_279 = arith.constant 50 : i32
      %lt3A_280 = arith.cmpi slt, %add3A_278, %lt3A_279 : i32
      %convert_element_type3A_281 = arith.extui %lt3A_280 : i1 to i32
      %cond3A_282 = arith.constant 0 : i32
      %cond3A_283 = arith.cmpi ne, %convert_element_type3A_281, %cond3A_282 : i32
      scf.if %cond3A_283 {
        %add3A_285 = arith.constant 2 : i32
        %add3A_286 = arith.addi %add3A_203, %add3A_285 : i32
        %mul3A_287 = arith.constant 4 : i32
        %mul3A_288 = arith.muli %add3A_286, %mul3A_287 : i32
        %add3A_289 = arith.addi %add3A_4, %mul3A_288 : i32
        %mul3A_290 = arith.constant 128 : i32
        %mul3A_291 = arith.muli %add3A_289, %mul3A_290 : i32
        %dma_start3A_292 = arith.constant 0 : i32
        %dma_start3A_293 = tpu.memref_slice %arg3[%add3A_289, %dma_start3A_292] : memref<6400x128xi32, #tpu.memory_space<hbm>> -> memref<4x128xi32, #tpu.memory_space<hbm>>
        %dma_start3A_294 = arith.constant 0 : i32
        %dma_start3A_295 = tpu.memref_slice %arg3[%add3A_289, %dma_start3A_294] : memref<6400x128xi32, #tpu.memory_space<hbm>> -> memref<4x128xi32, #tpu.memory_space<hbm>>
        tpu.enqueue_dma source(%dma_start3A_295 : memref<4x128xi32, #tpu.memory_space<hbm>>) target(%arg10 : memref<4x128xi32, #tpu.memory_space<vmem>>) target_semaphore(%arg26 : memref<!tpu.dma_semaphore, #tpu.memory_space<semaphore_mem>>)
        %dma_start3A_296 = tpu.memref_slice %arg4[%mul3A_291] : memref<819200xi32, #tpu.memory_space<hbm>> -> memref<512xi32, #tpu.memory_space<hbm>>
        %dma_start3A_297 = tpu.memref_slice %arg4[%mul3A_291] : memref<819200xi32, #tpu.memory_space<hbm>> -> memref<512xi32, #tpu.memory_space<hbm>>
        tpu.enqueue_dma source(%dma_start3A_297 : memref<512xi32, #tpu.memory_space<hbm>>) target(%arg12 : memref<512xi32, #tpu.memory_space<vmem>>) target_semaphore(%arg26 : memref<!tpu.dma_semaphore, #tpu.memory_space<semaphore_mem>>)
        %dma_start3A_298 = tpu.memref_slice %arg5[%mul3A_291] : memref<819200xi32, #tpu.memory_space<hbm>> -> memref<512xi32, #tpu.memory_space<hbm>>
        %dma_start3A_299 = tpu.memref_slice %arg5[%mul3A_291] : memref<819200xi32, #tpu.memory_space<hbm>> -> memref<512xi32, #tpu.memory_space<hbm>>
        tpu.enqueue_dma source(%dma_start3A_299 : memref<512xi32, #tpu.memory_space<hbm>>) target(%arg14 : memref<512xi32, #tpu.memory_space<vmem>>) target_semaphore(%arg26 : memref<!tpu.dma_semaphore, #tpu.memory_space<semaphore_mem>>)
      } else {
      }
      %scan3A_284 = arith.constant 0 : i32
      scf.yield %scan3A_284 : i32
    }
    %scan3A_84 = arith.constant 25 : i32
    %add3A_85 = arith.constant 192 : i32
    %add3A_86 = arith.addi %add3A_4, %add3A_85 : i32
    %mul3A_87 = arith.constant 128 : i32
    %mul3A_88 = arith.muli %add3A_86, %mul3A_87 : i32
    %dma_wait3A_89 = arith.constant 0 : i32
    %dma_wait3A_90 = arith.constant 0 : i32
    %dma_wait3A_91 = tpu.memref_slice %arg15[%dma_wait3A_89, %dma_wait3A_90] : memref<512x64xf32, #tpu.memory_space<vmem>> -> memref<512x56xf32, #tpu.memory_space<vmem>>
    %dma_wait3A_92 = arith.constant 0 : i32
    %dma_wait3A_93 = tpu.memref_slice %arg8[%mul3A_88, %dma_wait3A_92] : memref<819200x60xf32, #tpu.memory_space<hbm>> -> memref<512x56xf32, #tpu.memory_space<hbm>>
    %dma_wait3A_94 = arith.constant 0 : i32
    %dma_wait3A_95 = tpu.memref_slice %arg8[%mul3A_88, %dma_wait3A_94] : memref<819200x60xf32, #tpu.memory_space<hbm>> -> memref<512x56xf32, #tpu.memory_space<hbm>>
    %dma_wait3A_96 = arith.constant 0 : i32
    %dma_wait3A_97 = arith.constant 0 : i32
    %dma_wait3A_98 = tpu.memref_slice %arg15[%dma_wait3A_96, %dma_wait3A_97] : memref<512x64xf32, #tpu.memory_space<vmem>> -> memref<512x56xf32, #tpu.memory_space<vmem>>
    tpu.wait_dma2 semaphore(%arg23 : memref<!tpu.dma_semaphore, #tpu.memory_space<semaphore_mem>>) src(%dma_wait3A_98 : memref<512x56xf32, #tpu.memory_space<vmem>>) dst(%dma_wait3A_95 : memref<512x56xf32, #tpu.memory_space<hbm>>)
    %dma_wait3A_99 = arith.constant 56 : i32
    %dma_wait3A_100 = tpu.memref_slice %arg8[%mul3A_88, %dma_wait3A_99] : memref<819200x60xf32, #tpu.memory_space<hbm>> -> memref<512x4xf32, #tpu.memory_space<hbm>>
    %dma_wait3A_101 = arith.constant 56 : i32
    %dma_wait3A_102 = tpu.memref_slice %arg8[%mul3A_88, %dma_wait3A_101] : memref<819200x60xf32, #tpu.memory_space<hbm>> -> memref<512x4xf32, #tpu.memory_space<hbm>>
    tpu.wait_dma2 semaphore(%arg23 : memref<!tpu.dma_semaphore, #tpu.memory_space<semaphore_mem>>) src(%arg17 : memref<512x4xf32, #tpu.memory_space<vmem>>) dst(%dma_wait3A_102 : memref<512x4xf32, #tpu.memory_space<hbm>>)
    %add3A_103 = arith.constant 196 : i32
    %add3A_104 = arith.addi %add3A_4, %add3A_103 : i32
    %mul3A_105 = arith.constant 128 : i32
    %mul3A_106 = arith.muli %add3A_104, %mul3A_105 : i32
    %dma_wait3A_107 = arith.constant 0 : i32
    %dma_wait3A_108 = arith.constant 0 : i32
    %dma_wait3A_109 = tpu.memref_slice %arg16[%dma_wait3A_107, %dma_wait3A_108] : memref<512x64xf32, #tpu.memory_space<vmem>> -> memref<512x56xf32, #tpu.memory_space<vmem>>
    %dma_wait3A_110 = arith.constant 0 : i32
    %dma_wait3A_111 = tpu.memref_slice %arg8[%mul3A_106, %dma_wait3A_110] : memref<819200x60xf32, #tpu.memory_space<hbm>> -> memref<512x56xf32, #tpu.memory_space<hbm>>
    %dma_wait3A_112 = arith.constant 0 : i32
    %dma_wait3A_113 = tpu.memref_slice %arg8[%mul3A_106, %dma_wait3A_112] : memref<819200x60xf32, #tpu.memory_space<hbm>> -> memref<512x56xf32, #tpu.memory_space<hbm>>
    %dma_wait3A_114 = arith.constant 0 : i32
    %dma_wait3A_115 = arith.constant 0 : i32
    %dma_wait3A_116 = tpu.memref_slice %arg16[%dma_wait3A_114, %dma_wait3A_115] : memref<512x64xf32, #tpu.memory_space<vmem>> -> memref<512x56xf32, #tpu.memory_space<vmem>>
    tpu.wait_dma2 semaphore(%arg24 : memref<!tpu.dma_semaphore, #tpu.memory_space<semaphore_mem>>) src(%dma_wait3A_116 : memref<512x56xf32, #tpu.memory_space<vmem>>) dst(%dma_wait3A_113 : memref<512x56xf32, #tpu.memory_space<hbm>>)
    %dma_wait3A_117 = arith.constant 56 : i32
    %dma_wait3A_118 = tpu.memref_slice %arg8[%mul3A_106, %dma_wait3A_117] : memref<819200x60xf32, #tpu.memory_space<hbm>> -> memref<512x4xf32, #tpu.memory_space<hbm>>
    %dma_wait3A_119 = arith.constant 56 : i32
    %dma_wait3A_120 = tpu.memref_slice %arg8[%mul3A_106, %dma_wait3A_119] : memref<819200x60xf32, #tpu.memory_space<hbm>> -> memref<512x4xf32, #tpu.memory_space<hbm>>
    tpu.wait_dma2 semaphore(%arg24 : memref<!tpu.dma_semaphore, #tpu.memory_space<semaphore_mem>>) src(%arg18 : memref<512x4xf32, #tpu.memory_space<vmem>>) dst(%dma_wait3A_120 : memref<512x4xf32, #tpu.memory_space<hbm>>)
    return
  }
}

</mosaic_0001>

<sc_bundles>
// kernel: kernel.3.cloned.1.call-start
scs
__scs_entry_jumppad:
0x0: {  	(pc) =	sbr.rel $0x88, $3  }
0x1: {  	(tag) =	ssettag $0x0;
	lr =	simm.s32 $0x1  }
0x2: {  	[smem:$0x3F9B] =	sst lr;
	_ =	strace $0xD0000000  }
0x3: {  	_ = 	snop  }
0x4: {  	_ = 	snop  }
0x5: {  	_ = 	snop  }
0x6: {  	_ = 	snop  }
0x7: {  	_ = 	snop  }
__scs_overlays_trampoline_lowered:
0x8: {  	[smem:$0x3FAA] =	sst s0  }
0x9: {  	[smem:$0x3FAB] =	sst s1  }
0xa: {  	[smem:$0x3FAC] =	sst s2  }
0xb: {  	[smem:$0x3FAD] =	sst s3  }
0xc: {  	[smem:$0x3FAE] =	sst s4  }
0xd: {  	[smem:$0x3FAF] =	sst s5  }
0xe: {  	[smem:$0x3FB0] =	sst s6  }
0xf: {  	[smem:$0x3FB1] =	sst s7  }
0x10: {  	[smem:$0x3FB2] =	sst s8  }
0x11: {  	[smem:$0x3FB3] =	sst s9;
	s0 =	simm.s32 @!p0 $0x0  }
0x12: {  	s1 =	sld [smem:$0x3F99];
	s0 =	simm.s32 @p0 $0x1  }
0x13: {  	[smem:$0x3FB4] =	sst s0;
	s0 =	simm.s32 @!p1 $0x0  }
0x14: {  	s2 =	sld [smem:$0x3F98];
	s0 =	simm.s32 @p1 $0x1  }
0x15: {  	[smem:$0x3FB5] =	sst s0;
	s0 =	simm.s32 @!p2 $0x0  }
0x16: {  	s3 =	sld [smem:$0x3FDB];
	s0 =	simm.s32 @p2 $0x1  }
0x17: {  	s4 =	simm.s32 $0x1BF5;
	[smem:$0x3FB7] =	sst s0  }
0x18: {  	s0 =	sld [smem:$0x3F9A];
	_ =	swait.ge [sflag:s4], $0x0  }
0x19: {  	s7 =	sld [smem:$0x3F9B]  }
0x1a: {  	s8 =	sadd.s32 $0xFFFFE003, lr  }
0x1b: {  	s9 =	sadd.s32 $0xFFFFFEF7, lr;
	s5 =	simm.s32 $0xFFFFFFFF;
	p2 =	slt.u32 s8, $0xFFFFF086  }
0x1c: {  	p1 =	slt.u32 s9, $0xF7A;
	s5 =	simm.s32 @!p2 $0x0  }
0x1d: {  	s5 =	simm.s32 @p1 $0x1;
	p0 =	seq.s32 s7, s2  }
0x1e: {  	s7 =	smul.u32 @!p0 $0xF7A, s2;
	p2 =	seq.s32 @!p0 s5, $0x0  }
0x1f: {  	s9 =	smul.u32 $0xF7A, s1;
	s8 =	simm.s32 @!p0 $0x1BF5;
	p2 =	por !p2, p0  }
0x20: {  	[sflag:s8] =	ssyncset.s32 @!p0 $0xFFFFF086;
	s6 =	sadd.s32 @!p0 s3, s7;
	s7 =	simm.s32 @!p0 $0x108  }
0x21: {  	s3 =	sadd.s32 s3, s9;
	s6 =	sadd.s32 @!p0 $0x88, s6;
	s7 =	simm.s32 @p2 $0x1082  }
0x22: {  	[simem:s7], [sflag:s8] =	dma.local @!p0 [hbm:s6], $0xF7A  }
0x23: {  	s9 =	sor.u32 $0xD0000000, s2;
	s6 =	simm.s32 $0x108;
	_ =	swait.ge @!p0 [sflag:s8], $0x0  }
0x24: {  	s3 =	sadd.s32 $0x88, s3;
	s6 =	simm.s32 @!p1 $0x1082;
	[sflag:s4] =	ssyncset.s32 $0xFFFFF086  }
0x25: {  	[simem:s6], [sflag:s4] =	dma.local [hbm:s3], $0xF7A  }
0x26: {  	[smem:$0x3F9B] =	sst s1;
	(tag) =	ssettag s2;
	_ =	strace s9  }
0x27: {  	s1 =	sld [smem:$0x3FAB]  }
0x28: {  	s2 =	sld [smem:$0x3FAC]  }
0x29: {  	s4 =	sld [smem:$0x3FAE]  }
0x2a: {  	p0 =	seq.s32 s5, $0x0;
	s5 =	sld [smem:$0x3FAF]  }
0x2b: {  	s6 =	sld [smem:$0x3FB0]  }
0x2c: {  	s7 =	sld [smem:$0x3FB1]  }
0x2d: {  	s3 =	simm.s32 $0x108;
	s8 =	sld [smem:$0x3FB2]  }
0x2e: {  	s3 =	simm.s32 @!p0 $0x1082;
	s9 =	sld [smem:$0x3FB3]  }
0x2f: {  	lr =	sadd.s32 s0, s3;
	s0 =	sld [smem:$0x3FAA]  }
0x30: {  	s3 =	sld [smem:$0x3FAD]  }
0x31: {  	[smem:$0x3FB6] =	sst s10  }
0x32: {  	s10 =	sld [smem:$0x3FB4];
	_ =	sdelay $0x3  }
0x33: {  	p0 =	seq.s32 s10, $0x1;
	s10 =	sld [smem:$0x3FB6];
	_ =	sdelay $0x3  }
0x34: {  	[smem:$0x3FB6] =	sst s10  }
0x35: {  	s10 =	sld [smem:$0x3FB5];
	_ =	sdelay $0x3  }
0x36: {  	p1 =	seq.s32 s10, $0x1;
	s10 =	sld [smem:$0x3FB6];
	_ =	sdelay $0x3  }
0x37: {  	[smem:$0x3FB6] =	sst s10  }
0x38: {  	s10 =	sld [smem:$0x3FB7]  }
0x39: {  	_ = 	snop;
	(pc) =	sbr.ind lr, $3  }
0x3a: {  	_ = 	snop  }
0x3b: {  	_ = 	snop  }
0x3c: {  	p2 =	seq.s32 s10, $0x1;
	s10 =	sld [smem:$0x3FB6]  }
0x3d: {  	_ =	shalt  }
0x3e: {  	_ =	shalt  }
0x3f: {  	_ =	shalt  }
0x40: {  	_ =	shalt  }
0x41: {  	_ =	shalt  }
0x42: {  	_ =	shalt  }
0x43: {  	_ =	shalt  }
0x44: {  	_ =	shalt  }
0x45: {  	_ =	shalt  }
0x46: {  	_ =	shalt  }
0x47: {  	_ =	shalt  }
0x48: {  	_ =	shalt  }
0x49: {  	_ =	shalt  }
0x4a: {  	_ =	shalt  }
0x4b: {  	_ =	shalt  }
0x4c: {  	_ =	shalt  }
0x4d: {  	_ =	shalt  }
0x4e: {  	_ =	shalt  }
0x4f: {  	_ =	shalt  }
0x50: {  	_ =	shalt  }
0x51: {  	_ =	shalt  }
0x52: {  	_ =	shalt  }
0x53: {  	_ =	shalt  }
0x54: {  	_ =	shalt  }
0x55: {  	_ =	shalt  }
0x56: {  	_ =	shalt  }
0x57: {  	_ =	shalt  }
0x58: {  	_ =	shalt  }
0x59: {  	_ =	shalt  }
0x5a: {  	_ =	shalt  }
0x5b: {  	_ =	shalt  }
0x5c: {  	_ =	shalt  }
0x5d: {  	_ =	shalt  }
0x5e: {  	_ =	shalt  }
0x5f: {  	_ =	shalt  }
0x60: {  	_ =	shalt  }
0x61: {  	_ =	shalt  }
0x62: {  	_ =	shalt  }
0x63: {  	_ =	shalt  }
0x64: {  	_ =	shalt  }
0x65: {  	_ =	shalt  }
0x66: {  	_ =	shalt  }
0x67: {  	_ =	shalt  }
0x68: {  	_ =	shalt  }
0x69: {  	_ =	shalt  }
0x6a: {  	_ =	shalt  }
0x6b: {  	_ =	shalt  }
0x6c: {  	_ =	shalt  }
0x6d: {  	_ =	shalt  }
0x6e: {  	_ =	shalt  }
0x6f: {  	_ =	shalt  }
0x70: {  	_ =	shalt  }
0x71: {  	_ =	shalt  }
0x72: {  	_ =	shalt  }
0x73: {  	_ =	shalt  }
0x74: {  	_ =	shalt  }
0x75: {  	_ =	shalt  }
0x76: {  	_ =	shalt  }
0x77: {  	_ =	shalt  }
0x78: {  	_ =	shalt  }
0x79: {  	_ =	shalt  }
0x7a: {  	_ =	shalt  }
0x7b: {  	_ =	shalt  }
0x7c: {  	_ =	shalt  }
0x7d: {  	_ =	shalt  }
0x7e: {  	_ =	shalt  }
0x7f: {  	_ =	shalt  }
0x80: {  	_ =	shalt  }
0x81: {  	_ =	shalt  }
0x82: {  	_ =	shalt  }
0x83: {  	_ =	shalt  }
0x84: {  	_ =	shalt  }
0x85: {  	_ =	shalt  }
0x86: {  	_ =	shalt  }
0x87: {  	_ =	shalt  }
.Lfunc_end0:
.L_simem_size_0:
called_computation.1_lowered:
.L_overlay_start_0:
0x88: {  	s2 =	sld [smem:$0x3FD9]  }
0x89: {  	s3 =	sld [smem:$0x3FFE];
	_ =	sdelay $0x1  }
0x8a: {  	s1 =	srdreg.scid  }
0x8b: {  	s0 =	sand.u32 $0x1, s1  }
0x8c: {  	s17 =	sshll.u32 s0, $0xA;
	s2 =	sadd.s32 s3, s2  }
0x8d: {  	s2 =	sadd.s32 s2, s17  }
0x8e: {  	[smem:$0x3FC2] =	sst s2  }
0x8f: {  	_ = 	snop  }
0x90: {  	s2 =	sld [smem:$0x3FD0];
	(tm) =	ssettm $0x1  }
0x91: {  	s18 =	sld [smem:$0x3FFB];
	_ =	sdelay $0x3  }
0x92: {  	_ =	strace s18  }
0x93: {  	s3 =	sld [smem:$0x3FFC];
	_ =	sdelay $0x3  }
0x94: {  	_ =	strace s3  }
0x95: {  	s3 =	sld [smem:$0x3FFD];
	_ =	sdelay $0x3  }
0x96: {  	_ =	strace s3  }
0x97: {  	_ =	strace $0x8FFFFFFF  }
0x98: {  	s19 =	sld [smem:$0x3FDB];
	_ =	sdelay $0x1  }
0x99: {  	s4 =	simm.s32 $_scs_section_size  }
0x9a: {  	s5 =	simm.s32 $_size__tile_overlayer_lowered;
	s6 =	simm.s32 $_tile_overlayer_lowered  }
0x9b: {  	s22 =	simm.s32 $0x1BFF;
	s21 =	sshll.u32 s6, $0x1;
	s3 =	sadd.s32 s4, s19  }
0x9c: {  	s7 =	simm.s32 $0x0;
	s20 =	sshll.u32 s5, $0x1;
	s5 =	sadd.s32 s21, s3  }
0x9d: {  	[timem:s7], [sflag:s22] =	dma.local [hbm:s5], s20  }
0x9e: {  	_ =	swait.ge [sflag:s22], s20  }
0x9f: {  	s4 =	ssub.s32 $0x0, s20;
	[sflag:s22] =	ssyncset.done $0x0  }
0xa0: {  	[sflag:s22] =	ssyncadd.s32 s4;
	_ =	sdelay $0x1  }
0xa1: {  	s23 =	simm.s32 $0x1B8B  }
0xa2: {  	_ =	swait.ge [sflag:s23], $0x1  }
0xa3: {  	[sflag:s23] =	ssyncset.done $0x0  }
0xa4: {  	s25 =	simm.s32 $0x1B8E;
	s24 =	sld [smem:$0x3FFE];
	[sflag:s23] =	ssyncadd.s32 $0xFFFFFFFF  }
0xa5: {  	s26 =	simm.s32 $execute0_lowered;
	[smem:$0x3FD2] =	sst s25  }
0xa6: {  	s5 =	sshll.u32 s26, $0x1;
	_ =	strace $0x80000046;
	[dreg:$0x1] =	wrdreg $0xFFFFFFFF  }
0xa7: {  	s28 =	simm.s32 $_size_execute0_lowered;
	s3 =	sadd.s32 s3, s5;
	[dreg:$0x0] =	wrdreg $0x0  }
0xa8: {  	s5 =	sshll.u32 s28, $0x1;
	[dreg:$0x2] =	wrdreg s3  }
0xa9: {  	[dreg:$0x3] =	wrdreg s5  }
0xaa: {  	[dreg:$0x4] =	wrdreg $0xC0  }
0xab: {  	_ =	task [dreg:s7], $0x5FFFF  }
0xac: {  	[dreg:$0x1] =	wrdreg $0xFFFFFFFF  }
0xad: {  	[dreg:$0x0] =	wrdreg $0x60  }
0xae: {  	[dreg:$0x2] =	wrdreg s2  }
0xaf: {  	[dreg:$0x3] =	wrdreg s24  }
0xb0: {  	[dreg:$0x4] =	wrdreg $0x9  }
0xb1: {  	_ =	task.clear_ibuf [dreg:s7], $0x5FFFF;
	_ =	strace $0x90000046  }
0xb2: {  	s29 =	simm.s32 $0x9;
	_ =	strace $0x80000048  }
0xb3: {  	_ =	swait.ge [sflag:s29], $0x1  }
0xb4: {  	[sflag:s29] =	ssyncadd.s32 $0xFFFFFFFF  }
0xb5: {  	_ =	strace $0x90000048  }
0xb6: {  	_ =	sfence  }
0xb7: {  	s30 =	sld [smem:$0x0];
	_ =	sdelay $0x2  }
0xb8: {  	s31 =	sshll.u32 s1, $0xD;
	s1 =	sshrl.u32 s1, $0x2  }
0xb9: {  	s3 =	sand.u32 $0x4000, s31;
	s1 =	sadd.s32 s1, s30  }
0xba: {  	s0 =	sor.u32 s3, s0;
	s1 =	sshll.u32 s1, $0x11  }
0xbb: {  	s0 =	sor.u32 s1, s0  }
0xbc: {  	s0 =	sadd.s32 $0x8F2B, s0  }
0xbd: {  	[sflag:s0] =	ssyncadd.remote.s32 $0x1  }
0xbe: {  	_ =	sfence.sel $0xFFFF  }
0xbf: {  	[dreg:$0x0] =	wrdreg $0xFFFFFFFF;
	(pc) =	sbr.abs _section_cstart, $3  }
0xc0: {  	[dreg:$0x1] =	wrdreg $0xFFFFFFFF  }
0xc1: {  	_ =	task.clear_ibuf [dreg:s7], $0x2FFFF;
	_ =	strace $0x9FFFFFFF  }
0xc2: {  	(tm) =	ssettm $0x7FFFFFFF  }
0xc3: {  	_ =	shalt  }
tec
execute0_lowered:
.L_overlay_start_1:
0x0: {  	(tag) =	ssettag $0x1  }
0x1: {  	s1 =	rddreg [dreg:$0x0]  }
0x2: {  	s0 =	rddreg [dreg:$0x1]  }
0x3: {  	s2 =	simm.s32 $0x0;
	s3 =	srdreg.scid;
	s6 =	stileid.u32  }
0x4: {  	s29 =	simm.s32 $0x80;
	s30 =	simm.s32 $0xC00;
	s31 =	simm.s32 $0x200  }
0x5: {  	s28 =	simm.s32 $0x2;
	[smem:$0x7FF] =	sst s2;
	s4 =	sadd.s32 $0x2800, s0  }
0x6: {  	s5 =	sadd.s32 $0x1B800, s0;
	s3 =	sand.u32 $0x1, s3;
	s7 =	sshll.u32 s6, $0x1  }
0x7: {  	s6 =	sadd.s32 $0x34800, s0;
	s8 =	sadd.s32 $0x2400, s0;
	s15 =	sadd.s32 $0x2600, s0  }
0x8: {  	s9 =	sadd.s32 $0x4D800, s0;
	s17 =	sadd.s32 $0x4D807, s0;
	s7 =	sor.u32 s3, s7  }
0x9: {  	s0 =	simm.s32 $0x11C00;
	_ =	strace $0x80000047;
	s16 =	smul.u32 $0x6400, s7  }
0xa: {  	[dreg:$0x3] =	wrdreg s8;
	s3 =	ssub.s32 $0x2, s3;
	s11 =	smul.u32 $0xC80, s7  }
0xb: {  	[dreg:$0x4] =	wrdreg s15;
	s10 =	sshrl.u32 s3, $0x1;
	s19 =	smul.u32 $0xC8, s7  }
0xc: {  	s3 =	ssub.s32 s3, s10;
	s10 =	simm.s32 $0x0;
	s12 =	sadd.s32 s4, s11  }
0xd: {  	s20 =	sshrl.u32 s16, $0x3;
	s21 =	sadd.s32 s5, s11;
	[dreg:$0x5] =	wrdreg s12  }
0xe: {  	s11 =	sadd.s32 s6, s11;
	s24 =	sadd.s32 $0x400, s16;
	[dreg:$0x6] =	wrdreg s21  }
0xf: {  	s18 =	smov.u32 s19;
	s19 =	sor.u32 $0x4, s19;
	[dreg:$0x7] =	wrdreg s11  }
0x10: {  	s25 =	sadd.s32 $0x600, s16;
	s26 =	smax.u32 s3, $0x1;
	[dreg:$0xb] =	wrdreg s24  }
0x11: {  	s16 =	simm.s32 $0x10C00;
	s7 =	sor.u32 $0x40, s20;
	[dreg:$0xc] =	wrdreg s25  }
.Ltmp0:
0x12: {  	[dreg:$0xd] =	wrdreg s26;
	s22 =	sadd.s32 s4, s7;
	(pc) =	sbr.rel .LBB2_1-.Ltmp0, $4  }
0x13: {  	s24 =	simm.s32 $0x133D0;
	s23 =	sadd.s32 s5, s7;
	[dreg:$0x8] =	wrdreg s22  }
0x14: {  	s25 =	simm.s32 $0x1;
	s7 =	sadd.s32 s6, s7;
	[dreg:$0x9] =	wrdreg s23  }
0x15: {  	s26 =	simm.s32 $0x6;
	s21 =	simm.s32 $0x8;
	[dreg:$0xa] =	wrdreg s7  }
0x16: {  	v0 =	vlaneseq.u32;
	s22 =	simm.s32 $0x12C00;
	s7 =	simm.s32 $0x8C00;
	s23 =	simm.s32 $0x40  }
.LBB2_12:
0x17: {  	s3 =	simm.s32 $0x3  }
0x18: {  	_ =	swait.ge [sflag:s3], $0x7000  }
0x19: {  	[sflag:s3] =	ssyncset.done $0x0  }
0x1a: {  	[sflag:s3] =	ssyncadd.s32 $0xFFFF9000  }
0x1b: {  	_ =	swait.ge [sflag:s3], $0x1000  }
0x1c: {  	[sflag:s3] =	ssyncset.done $0x0  }
0x1d: {  	s8 =	simm.s32 $0x4;
	[sflag:s3] =	ssyncadd.s32 $0xFFFFF000  }
0x1e: {  	_ =	swait.ge [sflag:s8], $0x7000  }
0x1f: {  	[sflag:s8] =	ssyncset.done $0x0  }
0x20: {  	[sflag:s8] =	ssyncadd.s32 $0xFFFF9000  }
0x21: {  	_ =	swait.ge [sflag:s8], $0x1000  }
0x22: {  	s10 =	rddreg [dreg:$0xe]  }
0x23: {  	s20 =	rddreg [dreg:$0xd];
	s10 =	sadd.s32 $0x1, s10  }
0x24: {  	p0 =	sne.s32 s10, s20  }
.Ltmp1:
0x25: {  	_ = 	snop;
	(pc) =	sbr.rel @!p0 .LBB2_13-.Ltmp1, $3  }
0x26: {  	_ =	sdelay $0x1  }
0x27: {  	[sflag:s8] =	ssyncset.done $0x0  }
0x28: {  	[sflag:s8] =	ssyncadd.s32 $0xFFFFF000  }
.LBB2_1:
0x29: {  	[dreg:$0xe] =	wrdreg s10  }
0x2a: {  	s3 =	rddreg [dreg:$0x3];
	s8 =	simm.s32 $0x7  }
0x2b: {  	[tilespmem:s22], [sflag:$0x7] =	stream.linear.gather [hbm4b:s3+s2], $0x7D0, $0x38;
	[tilespmem:$0x13BA0] =	vst v63  }
0x2c: {  	_ =	swait.ge [sflag:s8], $0x7D0  }
0x2d: {  	[sflag:s8] =	ssyncset.done $0x0  }
0x2e: {  	s15 =	rddreg [dreg:$0x4];
	[sflag:s8] =	ssyncadd.s32 $0xFFFFF830  }
0x2f: {  	[tilespmem:s24], [sflag:$0x7] =	stream.linear.gather [hbm4b:s15+s2], $0x7D0, $0x38;
	[tilespmem:$0x13BA0] =	vst v63  }
0x30: {  	_ =	swait.ge [sflag:s8], $0x7D0  }
0x31: {  	[sflag:s8] =	ssyncset.done $0x0  }
0x32: {  	s20 =	rddreg [dreg:$0x5];
	[sflag:s8] =	ssyncadd.s32 $0xFFFFF830  }
0x33: {  	[tilespmem:s2], [sflag:$0x5] =	stream.linear.gather [hbm4b:s20+s2], $0x200, $0x38;
	[tilespmem:$0x13BA0] =	vst v63  }
0x34: {  	s10 =	simm.s32 $0x400;
	s8 =	rddreg [dreg:$0x6]  }
0x35: {  	[tilespmem:s10], [sflag:$0x5] =	stream.linear.gather [hbm4b:s8+s2], $0x200, $0x38;
	[tilespmem:$0x13BA0] =	vst v63  }
0x36: {  	s12 =	simm.s32 $0x800;
	s13 =	simm.s32 $0x5;
	s11 =	rddreg [dreg:$0x7]  }
0x37: {  	[tilespmem:s12], [sflag:$0x5] =	stream.linear.gather [hbm4b:s11+s2], $0x200, $0x38;
	[tilespmem:$0x13BA0] =	vst v63  }
0x38: {  	_ =	swait.ge [sflag:s13], $0x200  }
0x39: {  	[sflag:s13] =	ssyncset.done $0x0  }
0x3a: {  	[sflag:s13] =	ssyncadd.s32 $0xFFFFFE00  }
0x3b: {  	_ =	swait.ge [sflag:s13], $0x200  }
0x3c: {  	[sflag:s13] =	ssyncset.done $0x0  }
0x3d: {  	[sflag:s13] =	ssyncadd.s32 $0xFFFFFE00  }
0x3e: {  	_ =	swait.ge [sflag:s13], $0x200  }
0x3f: {  	[sflag:s13] =	ssyncset.done $0x0  }
0x40: {  	[sflag:s13] =	ssyncadd.s32 $0xFFFFFE00  }
0x41: {  	[tilespmem:s30], [sflag:$0x1] =	stream.indirect.gather [hbm4b:s1+s29], $0x40, s2, s29, $0xb8;
	[tilespmem:$0x13BA0] =	vst v63  }
0x42: {  	s14 =	simm.s32 $0x2C00  }
0x43: {  	[tilespmem:s14], [sflag:$0x1] =	stream.indirect.gather [hbm4b:s1+s29], $0x40, s29, s29, $0xb8;
	[tilespmem:$0x13BA0] =	vst v63  }
0x44: {  	s15 =	simm.s32 $0x100;
	s20 =	simm.s32 $0x4C00  }
0x45: {  	[tilespmem:s20], [sflag:$0x1] =	stream.indirect.gather [hbm4b:s1+s29], $0x40, s15, s29, $0xb8;
	[tilespmem:$0x13BA0] =	vst v63  }
0x46: {  	s10 =	simm.s32 $0x180;
	s11 =	simm.s32 $0x6C00  }
0x47: {  	[tilespmem:s11], [sflag:$0x1] =	stream.indirect.gather [hbm4b:s1+s29], $0x40, s10, s29, $0xb8;
	[tilespmem:$0x13BA0] =	vst v63  }
0x48: {  	s12 =	rddreg [dreg:$0x8]  }
0x49: {  	[tilespmem:s31], [sflag:$0x6] =	stream.linear.gather [hbm4b:s12+s2], $0x200, $0x38;
	[tilespmem:$0x13BA0] =	vst v63  }
0x4a: {  	s13 =	rddreg [dreg:$0x9];
	s14 =	simm.s32 $0x600  }
0x4b: {  	[tilespmem:s14], [sflag:$0x6] =	stream.linear.gather [hbm4b:s13+s2], $0x200, $0x38;
	[tilespmem:$0x13BA0] =	vst v63  }
0x4c: {  	s3 =	simm.s32 $0x0;
	s15 =	rddreg [dreg:$0xa];
	s20 =	simm.s32 $0xA00  }
0x4d: {  	[tilespmem:s20], [sflag:$0x6] =	stream.linear.gather [hbm4b:s15+s2], $0x200, $0x38;
	[tilespmem:$0x13BA0] =	vst v63  }
.LBB2_2:
0x4e: {  	_ =	swait.ge [sflag:s25], $0x2000  }
0x4f: {  	[sflag:s25] =	ssyncset.done $0x0  }
0x50: {  	[sflag:s25] =	ssyncadd.s32 $0xFFFFE000  }
0x51: {  	_ =	swait.ge [sflag:s25], $0x2000  }
0x52: {  	[sflag:s25] =	ssyncset.done $0x0  }
0x53: {  	[sflag:s25] =	ssyncadd.s32 $0xFFFFE000  }
0x54: {  	_ =	swait.ge [sflag:s25], $0x2000  }
0x55: {  	[sflag:s25] =	ssyncset.done $0x0  }
0x56: {  	[sflag:s25] =	ssyncadd.s32 $0xFFFFE000  }
0x57: {  	_ =	swait.ge [sflag:s25], $0x2000  }
0x58: {  	p0 =	seq.s32 s3, $0x0;
	[sflag:s25] =	ssyncset.done $0x0  }
0x59: {  	s8 =	simm.s32 @!p0 $0x4;
	[sflag:s25] =	ssyncadd.s32 $0xFFFFE000  }
0x5a: {  	_ =	swait.ge @!p0 [sflag:s8], $0x7000  }
0x5b: {  	[sflag:s8] =	ssyncset.done @!p0 $0x0  }
0x5c: {  	[sflag:s8] =	ssyncadd.s32 @!p0 $0xFFFF9000  }
0x5d: {  	_ =	swait.ge @!p0 [sflag:s8], $0x1000  }
0x5e: {  	[sflag:s8] =	ssyncset.done @!p0 $0x0  }
0x5f: {  	[sflag:s8] =	ssyncadd.s32 @!p0 $0xFFFFF000  }
0x60: {  	_ =	swait.ge [sflag:s26], $0x200  }
0x61: {  	[sflag:s26] =	ssyncset.done $0x0  }
0x62: {  	[sflag:s26] =	ssyncadd.s32 $0xFFFFFE00  }
0x63: {  	_ =	swait.ge [sflag:s26], $0x200  }
0x64: {  	[sflag:s26] =	ssyncset.done $0x0  }
0x65: {  	[sflag:s26] =	ssyncadd.s32 $0xFFFFFE00  }
0x66: {  	_ =	swait.ge [sflag:s26], $0x200  }
0x67: {  	[sflag:s26] =	ssyncset.done $0x0  }
0x68: {  	s12 =	simm.s32 $0x280;
	[sflag:s26] =	ssyncadd.s32 $0xFFFFFE00  }
0x69: {  	[tilespmem:s7], [sflag:$0x2] =	stream.indirect.gather [hbm4b:s1+s29], $0x40, s31, s29, $0xb8;
	[tilespmem:$0x13BA0] =	vst v63  }
0x6a: {  	s10 =	simm.s32 $0xAC00;
	s13 =	simm.s32 $0x300;
	s14 =	simm.s32 $0xCC00  }
0x6b: {  	[tilespmem:s10], [sflag:$0x2] =	stream.indirect.gather [hbm4b:s1+s29], $0x40, s12, s29, $0xb8;
	[tilespmem:$0x13BA0] =	vst v63  }
0x6c: {  	s15 =	simm.s32 $0x380;
	s20 =	simm.s32 $0xEC00;
	s11 =	simm.s32 $0x0  }
0x6d: {  	[tilespmem:s14], [sflag:$0x2] =	stream.indirect.gather [hbm4b:s1+s29], $0x40, s13, s29, $0xb8;
	[tilespmem:$0x13BA0] =	vst v63  }
0x6e: {  	s8 =	sshll.u32 s3, $0xA;
	s12 =	simm.s32 $0x410;
	s13 =	simm.s32 $0x810  }
0x6f: {  	[tilespmem:s20], [sflag:$0x2] =	stream.indirect.gather [hbm4b:s1+s29], $0x40, s15, s29, $0xb8;
	[tilespmem:$0x13BA0] =	vst v63  }
.LBB2_3:
0x70: {  	v1 =	vld [tilespmem:s12+$0xFFFFFFF0];
	_ =	sdelay $0x4  }
0x71: {  	v1 =	vmul.u32 $0x5, v1;
	_ =	sdelay $0x3  }
0x72: {  	v2 =	vor.u32 s11, v0  }
0x73: {  	v3 =	vshll.u32 v2, $0x6  }
0x74: {  	v5 =	vor.u32 $0x32, v3;
	v4 =	vld.idx.msk [tilespmem:v1+s22+$0x0], $0xffff  }
0x75: {  	v6 =	vadd.s32 $0x1, v1;
	_ =	sdelay $0x3  }
0x76: {  	v7 =	vld [tilespmem:s13+$0xFFFFFFF0];
	[tilespmem:v5+s30+$0x0] =	vst.idx.msk $0xffff, v4  }
0x77: {  	v42 =	vor.u32 $0x33, v3;
	v4 =	vld.idx.msk [tilespmem:v6+s22+$0x0], $0xffff  }
0x78: {  	v43 =	vadd.s32 $0x2, v1;
	_ =	sdelay $0x3  }
0x79: {  	[tilespmem:v42+s30+$0x0] =	vst.idx.msk $0xffff, v4  }
0x7a: {  	v44 =	vor.u32 $0x34, v3;
	v4 =	vld.idx.msk [tilespmem:v43+s22+$0x0], $0xffff  }
0x7b: {  	v45 =	vadd.s32 $0x3, v1;
	_ =	sdelay $0x3  }
0x7c: {  	[tilespmem:v44+s30+$0x0] =	vst.idx.msk $0xffff, v4  }
0x7d: {  	v46 =	vor.u32 $0x35, v3;
	v4 =	vld.idx.msk [tilespmem:v45+s22+$0x0], $0xffff  }
0x7e: {  	v1 =	vadd.s32 $0x4, v1;
	_ =	sdelay $0x3  }
0x7f: {  	[tilespmem:v46+s30+$0x0] =	vst.idx.msk $0xffff, v4  }
0x80: {  	v48 =	vor.u32 $0x36, v3;
	v47 =	vmul.u32 $0x5, v7;
	v1 =	vld.idx.msk [tilespmem:v1+s22+$0x0], $0xffff;
	_ =	sdelay $0x4  }
0x81: {  	[tilespmem:v48+s30+$0x0] =	vst.idx.msk $0xffff, v1  }
0x82: {  	v3 =	vor.u32 $0x37, v3;
	v1 =	vld.idx.msk [tilespmem:v47+s24+$0x0], $0xffff  }
0x83: {  	v49 =	vadd.s32 $0x1, v47;
	_ =	sdelay $0x3  }
0x84: {  	[tilespmem:v3+s30+$0x0] =	vst.idx.msk $0xffff, v1  }
0x85: {  	v2 =	vshll.u32 v2, $0x3;
	v1 =	vld.idx.msk [tilespmem:v49+s24+$0x0], $0xffff  }
0x86: {  	v3 =	vadd.s32 $0x2, v47;
	_ =	sdelay $0x3  }
0x87: {  	[tilespmem:v2+s16+$0x0] =	vst.idx.msk $0xffff, v1  }
0x88: {  	v1 =	vld.idx.msk [tilespmem:v3+s24+$0x0], $0xffff;
	v3 =	vor.u32 $0x1, v2  }
0x89: {  	v50 =	vadd.s32 $0x3, v47;
	_ =	sdelay $0x3  }
0x8a: {  	[tilespmem:v3+s16+$0x0] =	vst.idx.msk $0xffff, v1  }
0x8b: {  	v3 =	vor.u32 $0x2, v2;
	v1 =	vld.idx.msk [tilespmem:v50+s24+$0x0], $0xffff  }
0x8c: {  	v4 =	vadd.s32 $0x4, v47;
	_ =	sdelay $0x3  }
0x8d: {  	[tilespmem:v3+s16+$0x0] =	vst.idx.msk $0xffff, v1  }
0x8e: {  	v2 =	vor.u32 $0x3, v2;
	v1 =	vld.idx.msk [tilespmem:v4+s24+$0x0], $0xffff;
	_ =	sdelay $0x4  }
0x8f: {  	[tilespmem:v2+s16+$0x0] =	vst.idx.msk $0xffff, v1  }
0x90: {  	v1 =	vld [tilespmem:s12+$0x0];
	_ =	sdelay $0x4  }
0x91: {  	v1 =	vmul.u32 $0x5, v1;
	_ =	sdelay $0x2  }
0x92: {  	s10 =	sadd.s32 $0x10, s11  }
0x93: {  	v2 =	vor.u32 s10, v0  }
0x94: {  	v3 =	vshll.u32 v2, $0x6  }
0x95: {  	v52 =	vor.u32 $0x32, v3;
	v51 =	vld.idx.msk [tilespmem:v1+s22+$0x0], $0xffff  }
0x96: {  	v53 =	vadd.s32 $0x1, v1;
	_ =	sdelay $0x3  }
0x97: {  	v54 =	vld [tilespmem:s13+$0x0];
	[tilespmem:v52+s30+$0x0] =	vst.idx.msk $0xffff, v51  }
0x98: {  	v55 =	vor.u32 $0x33, v3;
	v4 =	vld.idx.msk [tilespmem:v53+s22+$0x0], $0xffff  }
0x99: {  	v56 =	vadd.s32 $0x2, v1;
	_ =	sdelay $0x3  }
0x9a: {  	[tilespmem:v55+s30+$0x0] =	vst.idx.msk $0xffff, v4  }
0x9b: {  	v57 =	vor.u32 $0x34, v3;
	v4 =	vld.idx.msk [tilespmem:v56+s22+$0x0], $0xffff  }
0x9c: {  	v58 =	vadd.s32 $0x3, v1;
	_ =	sdelay $0x3  }
0x9d: {  	[tilespmem:v57+s30+$0x0] =	vst.idx.msk $0xffff, v4  }
0x9e: {  	v59 =	vor.u32 $0x35, v3;
	v4 =	vld.idx.msk [tilespmem:v58+s22+$0x0], $0xffff  }
0x9f: {  	v1 =	vadd.s32 $0x4, v1;
	_ =	sdelay $0x3  }
0xa0: {  	[tilespmem:v59+s30+$0x0] =	vst.idx.msk $0xffff, v4  }
0xa1: {  	v61 =	vor.u32 $0x36, v3;
	v60 =	vmul.u32 $0x5, v54;
	v1 =	vld.idx.msk [tilespmem:v1+s22+$0x0], $0xffff;
	_ =	sdelay $0x4  }
0xa2: {  	[tilespmem:v61+s30+$0x0] =	vst.idx.msk $0xffff, v1  }
0xa3: {  	v3 =	vor.u32 $0x37, v3;
	v1 =	vld.idx.msk [tilespmem:v60+s24+$0x0], $0xffff  }
0xa4: {  	v62 =	vadd.s32 $0x1, v60;
	_ =	sdelay $0x3  }
0xa5: {  	[tilespmem:v3+s30+$0x0] =	vst.idx.msk $0xffff, v1  }
0xa6: {  	v2 =	vshll.u32 v2, $0x3;
	v1 =	vld.idx.msk [tilespmem:v62+s24+$0x0], $0xffff  }
0xa7: {  	v3 =	vadd.s32 $0x2, v60;
	_ =	sdelay $0x3  }
0xa8: {  	[tilespmem:v2+s16+$0x0] =	vst.idx.msk $0xffff, v1  }
0xa9: {  	v1 =	vld.idx.msk [tilespmem:v3+s24+$0x0], $0xffff;
	v3 =	vor.u32 $0x1, v2  }
0xaa: {  	v63 =	vadd.s32 $0x3, v60;
	_ =	sdelay $0x3  }
0xab: {  	[tilespmem:v3+s16+$0x0] =	vst.idx.msk $0xffff, v1  }
0xac: {  	v3 =	vor.u32 $0x2, v2;
	v1 =	vld.idx.msk [tilespmem:v63+s24+$0x0], $0xffff  }
0xad: {  	v4 =	vadd.s32 $0x4, v60;
	_ =	sdelay $0x3  }
0xae: {  	[tilespmem:v3+s16+$0x0] =	vst.idx.msk $0xffff, v1  }
0xaf: {  	p0 =	sne.s32 s11, $0x1E0;
	v2 =	vor.u32 $0x3, v2;
	v1 =	vld.idx.msk [tilespmem:v4+s24+$0x0], $0xffff  }
.Ltmp2:
0xb0: {  	_ = 	snop;
	(pc) =	sbr.rel @p0 .LBB2_3-.Ltmp2, $2  }
0xb1: {  	_ =	sdelay $0x2  }
0xb2: {  	s11 =	sadd.s32 $0x20, s11;
	s12 =	sadd.s32 $0x20, s12;
	s13 =	sadd.s32 $0x20, s13;
	[tilespmem:v2+s16+$0x0] =	vst.idx.msk $0xffff, v1  }
0xb3: {  	s11 =	sshll.u32 s3, $0x3  }
0xb4: {  	s10 =	sadd.s32 s18, s11  }
0xb5: {  	s12 =	sshll.u32 s10, $0xA  }
0xb6: {  	s14 =	simm.s32 $0xC00;
	s13 =	sadd.s32 s9, s12  }
0xb7: {  	s15 =	simm.s32 $0x8;
	s20 =	simm.s32 $0xC40;
	s10 =	sadd.s32 $0x0, s13  }
.LBB2_5:
0xb8: {  	[hbm4b:s10+s2] =	stream.linear.scatter [tilespmem:s14], [sflag:$0x3], $0x38, $0x38;
	[tilespmem:$0x13BA0] =	vst v63  }
0xb9: {  	s10 =	smov.u32 s15;
	s14 =	smov.u32 s20;
	p0 =	sne.s32 s15, $0xFF8  }
.Ltmp3:
0xba: {  	s15 =	sadd.s32 $0x8, s15;
	(pc) =	sbr.rel @p0 .LBB2_5-.Ltmp3, $2  }
0xbb: {  	_ =	sdelay $0x2  }
0xbc: {  	s20 =	sadd.s32 $0x40, s20;
	s10 =	sadd.s32 s10, s13  }
0xbd: {  	[hbm4b:s10+s2] =	stream.linear.scatter [tilespmem:s14], [sflag:$0x3], $0x38, $0x38;
	[tilespmem:$0x13BA0] =	vst v63  }
0xbe: {  	p0 =	seq.s32 s3, $0x18;
	s10 =	rddreg [dreg:$0xb]  }
0xbf: {  	s20 =	sadd.s32 s12, s17;
	s10 =	sadd.s32 @!p0 s8, s10  }
0xc0: {  	[hbm4b:s20+s21] =	stream.strided.scatter [tilespmem:s16], [sflag:$0x3], $0x1000, s23, s21, $0x38;
	[tilespmem:$0x13BA0] =	vst v63  }
0xc1: {  	s10 =	sshrl.u32 @!p0 s10, $0x3  }
0xc2: {  	s13 =	simm.s32 @!p0 $0x0;
	s12 =	sadd.s32 @!p0 s4, s10  }
0xc3: {  	[tilespmem:s13], [sflag:$0x5] =	stream.linear.gather @!p0 [hbm4b:s12+s13], $0x200, $0x38;
	[tilespmem:$0x13BA0] =	vst v63  }
0xc4: {  	s14 =	simm.s32 @!p0 $0x400;
	s12 =	sadd.s32 @!p0 s5, s10  }
0xc5: {  	[tilespmem:s14], [sflag:$0x5] =	stream.linear.gather @!p0 [hbm4b:s12+s13], $0x200, $0x38;
	[tilespmem:$0x13BA0] =	vst v63  }
0xc6: {  	s10 =	sadd.s32 @!p0 s6, s10;
	s12 =	simm.s32 @!p0 $0x800  }
0xc7: {  	[tilespmem:s12], [sflag:$0x5] =	stream.linear.gather @!p0 [hbm4b:s10+s13], $0x200, $0x38;
	[tilespmem:$0x13BA0] =	vst v63  }
0xc8: {  	_ =	swait.ge [sflag:s28], $0x2000  }
0xc9: {  	[sflag:s28] =	ssyncset.done $0x0  }
0xca: {  	[sflag:s28] =	ssyncadd.s32 $0xFFFFE000  }
0xcb: {  	_ =	swait.ge [sflag:s28], $0x2000  }
0xcc: {  	[sflag:s28] =	ssyncset.done $0x0  }
0xcd: {  	[sflag:s28] =	ssyncadd.s32 $0xFFFFE000  }
0xce: {  	_ =	swait.ge [sflag:s28], $0x2000  }
0xcf: {  	[sflag:s28] =	ssyncset.done $0x0  }
0xd0: {  	[sflag:s28] =	ssyncadd.s32 $0xFFFFE000  }
0xd1: {  	_ =	swait.ge [sflag:s28], $0x2000  }
0xd2: {  	[sflag:s28] =	ssyncset.done $0x0  }
0xd3: {  	s10 =	simm.s32 @!p0 $0x3;
	[sflag:s28] =	ssyncadd.s32 $0xFFFFE000  }
0xd4: {  	_ =	swait.ge @!p0 [sflag:s10], $0x7000  }
0xd5: {  	[sflag:s10] =	ssyncset.done @!p0 $0x0  }
0xd6: {  	[sflag:s10] =	ssyncadd.s32 @!p0 $0xFFFF9000  }
0xd7: {  	_ =	swait.ge @!p0 [sflag:s10], $0x1000  }
0xd8: {  	[sflag:s10] =	ssyncset.done @!p0 $0x0  }
0xd9: {  	[sflag:s10] =	ssyncadd.s32 @!p0 $0xFFFFF000;
	s10 =	simm.s32 @!p0 $0x5  }
0xda: {  	_ =	swait.ge @!p0 [sflag:s10], $0x200  }
0xdb: {  	[sflag:s10] =	ssyncset.done @!p0 $0x0  }
0xdc: {  	[sflag:s10] =	ssyncadd.s32 @!p0 $0xFFFFFE00  }
0xdd: {  	_ =	swait.ge @!p0 [sflag:s10], $0x200  }
0xde: {  	[sflag:s10] =	ssyncset.done @!p0 $0x0  }
0xdf: {  	[sflag:s10] =	ssyncadd.s32 @!p0 $0xFFFFFE00  }
0xe0: {  	_ =	swait.ge @!p0 [sflag:s10], $0x200  }
0xe1: {  	[sflag:s10] =	ssyncset.done @!p0 $0x0  }
0xe2: {  	s12 =	simm.s32 @!p0 $0xC00;
	[sflag:s10] =	ssyncadd.s32 @!p0 $0xFFFFFE00;
	s10 =	simm.s32 @!p0 $0x80  }
0xe3: {  	[tilespmem:s12], [sflag:$0x1] =	stream.indirect.gather @!p0 [hbm4b:s1+s10], $0x40, s13, s10, $0xb8;
	[tilespmem:$0x13BA0] =	vst v63  }
0xe4: {  	s12 =	simm.s32 @!p0 $0x2C00  }
0xe5: {  	[tilespmem:s12], [sflag:$0x1] =	stream.indirect.gather @!p0 [hbm4b:s1+s10], $0x40, s10, s10, $0xb8;
	[tilespmem:$0x13BA0] =	vst v63  }
0xe6: {  	s13 =	simm.s32 @!p0 $0x4C00;
	s12 =	simm.s32 @!p0 $0x100  }
0xe7: {  	[tilespmem:s13], [sflag:$0x1] =	stream.indirect.gather @!p0 [hbm4b:s1+s10], $0x40, s12, s10, $0xb8;
	[tilespmem:$0x13BA0] =	vst v63  }
0xe8: {  	s12 =	simm.s32 @!p0 $0x180;
	s13 =	simm.s32 @!p0 $0x6C00  }
0xe9: {  	[tilespmem:s13], [sflag:$0x1] =	stream.indirect.gather @!p0 [hbm4b:s1+s10], $0x40, s12, s10, $0xb8;
	[tilespmem:$0x13BA0] =	vst v63  }
0xea: {  	s14 =	simm.s32 $0xA10;
	s12 =	simm.s32 $0x0;
	s13 =	simm.s32 $0x610  }
.LBB2_7:
0xeb: {  	v1 =	vld [tilespmem:s13+$0xFFFFFFF0];
	_ =	sdelay $0x4  }
0xec: {  	v1 =	vmul.u32 $0x5, v1;
	_ =	sdelay $0x3  }
0xed: {  	v2 =	vor.u32 s12, v0  }
0xee: {  	v3 =	vshll.u32 v2, $0x6  }
0xef: {  	v5 =	vor.u32 $0x32, v3;
	v4 =	vld.idx.msk [tilespmem:v1+s22+$0x0], $0xffff  }
0xf0: {  	v6 =	vadd.s32 $0x1, v1;
	_ =	sdelay $0x3  }
0xf1: {  	v7 =	vld [tilespmem:s14+$0xFFFFFFF0];
	[tilespmem:v5+s7+$0x0] =	vst.idx.msk $0xffff, v4  }
0xf2: {  	v42 =	vor.u32 $0x33, v3;
	v4 =	vld.idx.msk [tilespmem:v6+s22+$0x0], $0xffff  }
0xf3: {  	v43 =	vadd.s32 $0x2, v1;
	_ =	sdelay $0x3  }
0xf4: {  	[tilespmem:v42+s7+$0x0] =	vst.idx.msk $0xffff, v4  }
0xf5: {  	v44 =	vor.u32 $0x34, v3;
	v4 =	vld.idx.msk [tilespmem:v43+s22+$0x0], $0xffff  }
0xf6: {  	v45 =	vadd.s32 $0x3, v1;
	_ =	sdelay $0x3  }
0xf7: {  	[tilespmem:v44+s7+$0x0] =	vst.idx.msk $0xffff, v4  }
0xf8: {  	v46 =	vor.u32 $0x35, v3;
	v4 =	vld.idx.msk [tilespmem:v45+s22+$0x0], $0xffff  }
0xf9: {  	v1 =	vadd.s32 $0x4, v1;
	_ =	sdelay $0x3  }
0xfa: {  	[tilespmem:v46+s7+$0x0] =	vst.idx.msk $0xffff, v4  }
0xfb: {  	v48 =	vor.u32 $0x36, v3;
	v47 =	vmul.u32 $0x5, v7;
	v1 =	vld.idx.msk [tilespmem:v1+s22+$0x0], $0xffff;
	_ =	sdelay $0x4  }
0xfc: {  	[tilespmem:v48+s7+$0x0] =	vst.idx.msk $0xffff, v1  }
0xfd: {  	v3 =	vor.u32 $0x37, v3;
	v1 =	vld.idx.msk [tilespmem:v47+s24+$0x0], $0xffff  }
0xfe: {  	v49 =	vadd.s32 $0x1, v47;
	_ =	sdelay $0x3  }
0xff: {  	[tilespmem:v3+s7+$0x0] =	vst.idx.msk $0xffff, v1  }
0x100: {  	v2 =	vshll.u32 v2, $0x3;
	v1 =	vld.idx.msk [tilespmem:v49+s24+$0x0], $0xffff  }
0x101: {  	v3 =	vadd.s32 $0x2, v47;
	_ =	sdelay $0x3  }
0x102: {  	[tilespmem:v2+s0+$0x0] =	vst.idx.msk $0xffff, v1  }
0x103: {  	v1 =	vld.idx.msk [tilespmem:v3+s24+$0x0], $0xffff;
	v3 =	vor.u32 $0x1, v2  }
0x104: {  	v50 =	vadd.s32 $0x3, v47;
	_ =	sdelay $0x3  }
0x105: {  	[tilespmem:v3+s0+$0x0] =	vst.idx.msk $0xffff, v1  }
0x106: {  	v3 =	vor.u32 $0x2, v2;
	v1 =	vld.idx.msk [tilespmem:v50+s24+$0x0], $0xffff  }
0x107: {  	v4 =	vadd.s32 $0x4, v47;
	_ =	sdelay $0x3  }
0x108: {  	[tilespmem:v3+s0+$0x0] =	vst.idx.msk $0xffff, v1  }
0x109: {  	v2 =	vor.u32 $0x3, v2;
	v1 =	vld.idx.msk [tilespmem:v4+s24+$0x0], $0xffff;
	_ =	sdelay $0x4  }
0x10a: {  	[tilespmem:v2+s0+$0x0] =	vst.idx.msk $0xffff, v1  }
0x10b: {  	v1 =	vld [tilespmem:s13+$0x0];
	_ =	sdelay $0x4  }
0x10c: {  	v1 =	vmul.u32 $0x5, v1;
	_ =	sdelay $0x2  }
0x10d: {  	s10 =	sadd.s32 $0x10, s12  }
0x10e: {  	v2 =	vor.u32 s10, v0  }
0x10f: {  	v3 =	vshll.u32 v2, $0x6  }
0x110: {  	v52 =	vor.u32 $0x32, v3;
	v51 =	vld.idx.msk [tilespmem:v1+s22+$0x0], $0xffff  }
0x111: {  	v53 =	vadd.s32 $0x1, v1;
	_ =	sdelay $0x3  }
0x112: {  	v54 =	vld [tilespmem:s14+$0x0];
	[tilespmem:v52+s7+$0x0] =	vst.idx.msk $0xffff, v51  }
0x113: {  	v55 =	vor.u32 $0x33, v3;
	v4 =	vld.idx.msk [tilespmem:v53+s22+$0x0], $0xffff  }
0x114: {  	v56 =	vadd.s32 $0x2, v1;
	_ =	sdelay $0x3  }
0x115: {  	[tilespmem:v55+s7+$0x0] =	vst.idx.msk $0xffff, v4  }
0x116: {  	v57 =	vor.u32 $0x34, v3;
	v4 =	vld.idx.msk [tilespmem:v56+s22+$0x0], $0xffff  }
0x117: {  	v58 =	vadd.s32 $0x3, v1;
	_ =	sdelay $0x3  }
0x118: {  	[tilespmem:v57+s7+$0x0] =	vst.idx.msk $0xffff, v4  }
0x119: {  	v59 =	vor.u32 $0x35, v3;
	v4 =	vld.idx.msk [tilespmem:v58+s22+$0x0], $0xffff  }
0x11a: {  	v1 =	vadd.s32 $0x4, v1;
	_ =	sdelay $0x3  }
0x11b: {  	[tilespmem:v59+s7+$0x0] =	vst.idx.msk $0xffff, v4  }
0x11c: {  	v61 =	vor.u32 $0x36, v3;
	v60 =	vmul.u32 $0x5, v54;
	v1 =	vld.idx.msk [tilespmem:v1+s22+$0x0], $0xffff;
	_ =	sdelay $0x4  }
0x11d: {  	[tilespmem:v61+s7+$0x0] =	vst.idx.msk $0xffff, v1  }
0x11e: {  	v3 =	vor.u32 $0x37, v3;
	v1 =	vld.idx.msk [tilespmem:v60+s24+$0x0], $0xffff  }
0x11f: {  	v62 =	vadd.s32 $0x1, v60;
	_ =	sdelay $0x3  }
0x120: {  	[tilespmem:v3+s7+$0x0] =	vst.idx.msk $0xffff, v1  }
0x121: {  	v2 =	vshll.u32 v2, $0x3;
	v1 =	vld.idx.msk [tilespmem:v62+s24+$0x0], $0xffff  }
0x122: {  	v3 =	vadd.s32 $0x2, v60;
	_ =	sdelay $0x3  }
0x123: {  	[tilespmem:v2+s0+$0x0] =	vst.idx.msk $0xffff, v1  }
0x124: {  	v1 =	vld.idx.msk [tilespmem:v3+s24+$0x0], $0xffff;
	v3 =	vor.u32 $0x1, v2  }
0x125: {  	v63 =	vadd.s32 $0x3, v60;
	_ =	sdelay $0x3  }
0x126: {  	[tilespmem:v3+s0+$0x0] =	vst.idx.msk $0xffff, v1  }
0x127: {  	v3 =	vor.u32 $0x2, v2;
	v1 =	vld.idx.msk [tilespmem:v63+s24+$0x0], $0xffff  }
0x128: {  	v4 =	vadd.s32 $0x4, v60;
	_ =	sdelay $0x3  }
0x129: {  	[tilespmem:v3+s0+$0x0] =	vst.idx.msk $0xffff, v1  }
0x12a: {  	p1 =	sne.s32 s12, $0x1E0;
	v2 =	vor.u32 $0x3, v2;
	v1 =	vld.idx.msk [tilespmem:v4+s24+$0x0], $0xffff  }
.Ltmp4:
0x12b: {  	_ = 	snop;
	(pc) =	sbr.rel @p1 .LBB2_7-.Ltmp4, $2  }
0x12c: {  	_ =	sdelay $0x2  }
0x12d: {  	s12 =	sadd.s32 $0x20, s12;
	s13 =	sadd.s32 $0x20, s13;
	s14 =	sadd.s32 $0x20, s14;
	[tilespmem:v2+s0+$0x0] =	vst.idx.msk $0xffff, v1  }
0x12e: {  	s10 =	sadd.s32 s11, s19  }
0x12f: {  	s10 =	sshll.u32 s10, $0xA  }
0x130: {  	s11 =	sand.u32 $0x1FFFF000, s10  }
0x131: {  	s13 =	simm.s32 $0x8C00;
	s12 =	sadd.s32 s9, s11  }
0x132: {  	s14 =	simm.s32 $0x8;
	s15 =	simm.s32 $0x8C40;
	s10 =	sadd.s32 $0x0, s12  }
.LBB2_9:
0x133: {  	[hbm4b:s10+s2] =	stream.linear.scatter [tilespmem:s13], [sflag:$0x4], $0x38, $0x38;
	[tilespmem:$0x13BA0] =	vst v63  }
0x134: {  	s10 =	smov.u32 s14;
	s13 =	smov.u32 s15;
	p1 =	sne.s32 s14, $0xFF8  }
.Ltmp5:
0x135: {  	s14 =	sadd.s32 $0x8, s14;
	(pc) =	sbr.rel @p1 .LBB2_9-.Ltmp5, $2  }
0x136: {  	_ =	sdelay $0x2  }
0x137: {  	s15 =	sadd.s32 $0x40, s15;
	s10 =	sadd.s32 s10, s12  }
.Ltmp6:
0x138: {  	(pc) =	sbr.rel @p0 .LBB2_12-.Ltmp6, $4  }
0x139: {  	_ = 	snop  }
0x13a: {  	[hbm4b:s10+s2] =	stream.linear.scatter [tilespmem:s13], [sflag:$0x4], $0x38, $0x38;
	[tilespmem:$0x13BA0] =	vst v63  }
0x13b: {  	s20 =	sadd.s32 s11, s17  }
0x13c: {  	[hbm4b:s20+s21] =	stream.strided.scatter [tilespmem:s0], [sflag:$0x4], $0x1000, s23, s21, $0x38;
	[tilespmem:$0x13BA0] =	vst v63  }
0x13d: {  	s10 =	rddreg [dreg:$0xc]  }
0x13e: {  	s8 =	sadd.s32 s8, s10  }
0x13f: {  	s8 =	sshrl.u32 s8, $0x3  }
0x140: {  	s14 =	sadd.s32 s4, s8  }
0x141: {  	[tilespmem:s31], [sflag:$0x6] =	stream.linear.gather [hbm4b:s14+s2], $0x200, $0x38;
	[tilespmem:$0x13BA0] =	vst v63  }
.Ltmp7:
0x142: {  	_ = 	snop;
	(pc) =	sbr.rel .LBB2_2-.Ltmp7, $4  }
0x143: {  	s11 =	simm.s32 $0x600;
	s15 =	sadd.s32 s5, s8  }
0x144: {  	[tilespmem:s11], [sflag:$0x6] =	stream.linear.gather [hbm4b:s15+s2], $0x200, $0x38;
	[tilespmem:$0x13BA0] =	vst v63  }
0x145: {  	s20 =	simm.s32 $0xA00;
	s3 =	sadd.s32 $0x1, s3;
	s8 =	sadd.s32 s6, s8  }
0x146: {  	[tilespmem:s20], [sflag:$0x6] =	stream.linear.gather [hbm4b:s8+s2], $0x200, $0x38;
	[tilespmem:$0x13BA0] =	vst v63  }
.LBB2_13:
0x147: {  	_ =	sfence.sel $0x180000  }
0x148: {  	[bflag:$0x0] =	sbarrier.arrive $0xFFFF  }
0x149: {  	_ =	strace $0x90000047  }
0x14a: {  	s0 =	stileid.u32;
	[bflag:$0x2] =	sbarrier.arrive $0xFFFF  }
0x14b: {  	p0 =	sne.s32 s0, $0x0;
	s0 =	rddreg [dreg:$0x2]  }
0x14c: {  	s0 =	sadd.s32 @!p0 $0x100000, s0  }
0x14d: {  	[sflag:s0] =	ssyncadd.tile.s32 @!p0 $0x1;
	_ =	shalt  }
.Lfunc_end2:
_tile_overlayer_lowered:
.L_overlay_start_2:
0x14e: {  	(tag) =	ssettag $0x2  }
0x14f: {  	s0 =	rddreg [dreg:$0x0];
	s2 =	stileid.u32  }
0x150: {  	s1 =	rddreg [dreg:$0x1];
	p0 =	sne.s32 s2, $0x0  }
0x151: {  	s3 =	rddreg [dreg:$0x2];
	[bflag:$0x3] =	sbarrier.arrive $0xFFFF;
	s2 =	simm.s32 @!p0 $0x1C07  }
0x152: {  	[timem:s3], [sflag:s2] =	dma.local @!p0 [hbm:s0], s1  }
0x153: {  	s0 =	simm.s32 @!p0 $0x7  }
0x154: {  	_ =	swait.ge @!p0 [sflag:s0], s1  }
0x155: {  	s1 =	ssub.s32 @!p0 $0x0, s1;
	[sflag:s0] =	ssyncset.done @!p0 $0x0  }
0x156: {  	[sflag:s0] =	ssyncadd.s32 @!p0 s1  }
0x157: {  	[bflag:$0x3] =	sbarrier.arrive $0xFFFF  }
0x158: {  	_ =	shalt  }

// kernel: sparse-core-data-format-call.cloned.1.call-start
scs
called_computation_lowered:
.L_overlay_start_0:
0x0: {  	s2 =	sld [smem:$0x3FD9]  }
0x1: {  	s3 =	sld [smem:$0x3FFE];
	_ =	sdelay $0x1  }
0x2: {  	s1 =	srdreg.scid  }
0x3: {  	s0 =	sand.u32 $0x1, s1  }
0x4: {  	s18 =	sshll.u32 s0, $0xA;
	s2 =	sadd.s32 s3, s2  }
0x5: {  	s2 =	sadd.s32 s2, s18  }
0x6: {  	[smem:$0x3FC2] =	sst s2  }
0x7: {  	_ = 	snop  }
0x8: {  	s2 =	sld [smem:$0x3FD0];
	(tm) =	ssettm $0x1  }
0x9: {  	s19 =	sld [smem:$0x3FFB];
	_ =	sdelay $0x3  }
0xa: {  	_ =	strace s19  }
0xb: {  	s3 =	sld [smem:$0x3FFC];
	_ =	sdelay $0x3  }
0xc: {  	_ =	strace s3  }
0xd: {  	s3 =	sld [smem:$0x3FFD];
	_ =	sdelay $0x3  }
0xe: {  	_ =	strace s3  }
0xf: {  	_ =	strace $0x8FFFFFFF  }
0x10: {  	s20 =	sld [smem:$0x3FDB];
	_ =	sdelay $0x1  }
0x11: {  	s4 =	simm.s32 $_scs_section_size  }
0x12: {  	s5 =	simm.s32 $_size__tile_overlayer_lowered;
	s6 =	simm.s32 $_tile_overlayer_lowered  }
0x13: {  	s23 =	simm.s32 $0x1BFF;
	s22 =	sshll.u32 s6, $0x1;
	s3 =	sadd.s32 s4, s20  }
0x14: {  	s7 =	simm.s32 $0x0;
	s21 =	sshll.u32 s5, $0x1;
	s5 =	sadd.s32 s22, s3  }
0x15: {  	[timem:s7], [sflag:s23] =	dma.local [hbm:s5], s21  }
0x16: {  	_ =	swait.ge [sflag:s23], s21  }
0x17: {  	s4 =	ssub.s32 $0x0, s21;
	[sflag:s23] =	ssyncset.done $0x0  }
0x18: {  	[sflag:s23] =	ssyncadd.s32 s4;
	_ =	sdelay $0x1  }
0x19: {  	s24 =	simm.s32 $0x1B8B  }
0x1a: {  	_ =	swait.ge [sflag:s24], $0x1  }
0x1b: {  	[sflag:s24] =	ssyncset.done $0x0  }
0x1c: {  	s26 =	simm.s32 $0x1B8E;
	s25 =	sld [smem:$0x3FFE];
	[sflag:s24] =	ssyncadd.s32 $0xFFFFFFFF  }
0x1d: {  	s27 =	simm.s32 $execute0_lowered;
	[smem:$0x3FD2] =	sst s26  }
0x1e: {  	s5 =	sshll.u32 s27, $0x1;
	_ =	strace $0x80000049;
	[dreg:$0x1] =	wrdreg $0xFFFFFFFF  }
0x1f: {  	s28 =	simm.s32 $_size_execute0_lowered;
	s3 =	sadd.s32 s3, s5;
	[dreg:$0x0] =	wrdreg $0x0  }
0x20: {  	s5 =	sshll.u32 s28, $0x1;
	[dreg:$0x2] =	wrdreg s3  }
0x21: {  	[dreg:$0x3] =	wrdreg s5  }
0x22: {  	[dreg:$0x4] =	wrdreg $0xC0  }
0x23: {  	_ =	task [dreg:s7], $0x5FFFF  }
0x24: {  	[dreg:$0x1] =	wrdreg $0xFFFFFFFF  }
0x25: {  	[dreg:$0x0] =	wrdreg $0x60  }
0x26: {  	[dreg:$0x2] =	wrdreg s25  }
0x27: {  	[dreg:$0x3] =	wrdreg s2  }
0x28: {  	[dreg:$0x4] =	wrdreg $0x9  }
0x29: {  	_ =	task.clear_ibuf [dreg:s7], $0x5FFFF;
	_ =	strace $0x90000049  }
0x2a: {  	s29 =	simm.s32 $0x9;
	_ =	strace $0x8000004B  }
0x2b: {  	_ =	swait.ge [sflag:s29], $0x1  }
0x2c: {  	[sflag:s29] =	ssyncadd.s32 $0xFFFFFFFF  }
0x2d: {  	_ =	strace $0x9000004B  }
0x2e: {  	_ =	sfence  }
0x2f: {  	s30 =	sld [smem:$0x0];
	_ =	sdelay $0x2  }
0x30: {  	s31 =	sshll.u32 s1, $0xD;
	s1 =	sshrl.u32 s1, $0x2  }
0x31: {  	s3 =	sand.u32 $0x4000, s31;
	s1 =	sadd.s32 s1, s30  }
0x32: {  	s0 =	sor.u32 s3, s0;
	s1 =	sshll.u32 s1, $0x11  }
0x33: {  	s0 =	sor.u32 s1, s0  }
0x34: {  	s0 =	sadd.s32 $0x8F2B, s0  }
0x35: {  	[sflag:s0] =	ssyncadd.remote.s32 $0x1  }
0x36: {  	_ =	sfence.sel $0xFFFF  }
0x37: {  	[dreg:$0x0] =	wrdreg $0xFFFFFFFF;
	(pc) =	sbr.abs _section_cstart, $3  }
0x38: {  	[dreg:$0x1] =	wrdreg $0xFFFFFFFF  }
0x39: {  	_ =	task.clear_ibuf [dreg:s7], $0x2FFFF;
	_ =	strace $0x9FFFFFFF  }
0x3a: {  	(tm) =	ssettm $0x7FFFFFFF  }
0x3b: {  	_ =	shalt  }
tec
execute0_lowered:
.L_overlay_start_1:
0x0: {  	(tag) =	ssettag $0x1  }
0x1: {  	s4 =	rddreg [dreg:$0x0]  }
0x2: {  	s0 =	stileid.u32;
	s2 =	rddreg [dreg:$0x1]  }
0x3: {  	s7 =	srdreg.scid;
	s8 =	simm.s32 $0x2;
	s17 =	simm.s32 $0x0  }
0x4: {  	s9 =	simm.s32 $0x32000;
	s19 =	simm.s32 $0x0;
	s18 =	simm.s32 $0x0  }
0x5: {  	s10 =	simm.s32 $0x0;
	s11 =	simm.s32 $0x0;
	s1 =	sshll.u32 s0, $0x7  }
0x6: {  	s12 =	simm.s32 $0x0;
	s13 =	simm.s32 $0x0;
	s3 =	sand.u32 $0x380, s1  }
0x7: {  	s16 =	simm.s32 $0x0;
	s7 =	sshll.u32 s7, $0x4;
	s5 =	ssub.s32 $0x400, s3  }
0x8: {  	s4 =	sadd.s32 $0x68D800, s4;
	s1 =	rddreg [dreg:$0x2];
	s6 =	sand.u32 $0x380, s5  }
0x9: {  	s7 =	sand.u32 $0x10, s7;
	p0 =	sne.s32 s6, $0x0;
	s6 =	simm.s32 $0x1  }
.Ltmp0:
0xa: {  	s5 =	sshrl.u32 s5, $0xA;
	s6 =	simm.s32 @!p0 $0x0;
	(pc) =	sbr.rel .LBB1_1-.Ltmp0, $4  }
0xb: {  	_ =	strace $0x8000004A;
	s7 =	sor.u32 s0, s7;
	s6 =	sadd.s32 s6, s5  }
0xc: {  	s7 =	sshrl.u32 s7, $0x3;
	s5 =	simm.s32 $0x1;
	s6 =	smul.u32 $0xC8, s6  }
0xd: {  	s15 =	smov.u32 s3;
	s14 =	smov.u32 s7;
	[sflag:s5] =	ssyncpa.u1 $0x0  }
0xe: {  	p0 =	por $0x0, $0x0;
	[sflag:s8] =	ssyncpa.u1 $0x0;
	s8 =	sor.u32 $0x1, s6  }
.LBB1_4:
0xf: {  	s22 =	sshll.u32 s10, $0xA;
	s23 =	sshll.u32 s12, $0x3  }
0x10: {  	p1 =	sgt.s32 s10, $0xC7;
	s24 =	sshra.s32 s10, $0x1F;
	s25 =	smov.u32 s11  }
0x11: {  	s27 =	smov.u32 s12;
	s28 =	sshra.s32 s12, $0x1F;
	s29 =	sshra.s32 s11, $0x1F  }
0x12: {  	s22 =	sand.u32 $0xFFFFE000, s22;
	s23 =	sand.u32 $0xFFFFFC00, s23;
	s24 =	sand.u32 s24, s10  }
0x13: {  	s31 =	sand.u32 s28, s12;
	s22 =	sadd.s32 s23, s22;
	s23 =	smov.u32 s10  }
0x14: {  	s28 =	sand.u32 $0x78, s12;
	s22 =	sshrl.u32 s22, $0xA;
	s23 =	simm.s32 @!p1 $0xC7  }
0x15: {  	p1 =	sgt.s32 s11, $0x3;
	s26 =	smulhi.u32 $0x147AE15, s22;
	s23 =	ssub.s32 s23, s24  }
0x16: {  	s25 =	simm.s32 @!p1 $0x3;
	p1 =	sgt.s32 s12, $0x380;
	s24 =	sadd.s32 $0xFFFFFF39, s23  }
0x17: {  	s27 =	simm.s32 @!p1 $0x380;
	s23 =	ssub.s32 $0xC8, s23;
	p1 =	sgt.s32 s24, $0x0  }
0x18: {  	s24 =	ssub.s32 s27, s31;
	s26 =	smul.u32 $0xC8, s26;
	s27 =	sand.u32 s29, s11  }
0x19: {  	s29 =	sshll.u32 s10, $0x7;
	s25 =	ssub.s32 s25, s27;
	s23 =	simm.s32 @p1 $0x0  }
0x1a: {  	s30 =	sadd.s32 $0xFFFFFC80, s24;
	s24 =	ssub.s32 $0x400, s24;
	s31 =	ssub.s32 $0x4, s25  }
0x1b: {  	p1 =	sgt.s32 s30, $0x7F;
	s25 =	sadd.s32 $0xFFFFFFFD, s25;
	s27 =	smul.u32 $0x3C, s31  }
0x1c: {  	s30 =	sand.u32 $0x380, s29;
	s24 =	simm.s32 @p1 $0x0;
	s31 =	smul.u32 $0x177000, s11  }
0x1d: {  	s22 =	ssub.s32 s22, s26;
	p1 =	sgt.s32 s25, $0x0;
	s23 =	smul.u32 s24, s23  }
0x1e: {  	s24 =	sor.u32 s28, s30;
	s28 =	sand.u32 $0x7, s12;
	s27 =	simm.s32 @p1 $0x0  }
0x1f: {  	[tilespmem:s21+$0x810 ss:$0x81] =	vst.msk $0xffff, v2;
	s24 =	sshrl.u32 s24, $0x3;
	s25 =	sadd.s32 s2, s31;
	s23 =	smul.u32 s27, s23  }
0x20: {  	[tilespmem:s21+$0x1020 ss:$0x81] =	vst.msk $0xffff, v0;
	s22 =	sshll.u32 s22, $0x7;
	s29 =	sshll.u32 s28, $0x12;
	s24 =	sadd.s32 s24, s25  }
0x21: {  	[tilespmem:s21+$0x0 ss:$0x81] =	vst.msk $0xffff, v1;
	s31 =	sor.u32 $0x80, s29;
	s22 =	sadd.s32 s22, s24;
	s30 =	sand.u32 $0x3FFFFFFC, s23  }
0x22: {  	[hbm4b:s22+s31] =	stream.strided.scatter [tilespmem:s20], [sflag:$0x2], s30, s9, s31, $0x20;
	[tilespmem:$0x8080] =	vst v63  }
.LBB1_5:
0x23: {  	p1 =	slt.u32 s16, $0x2  }
0x24: {  	s20 =	smov.u32 s19;
	p2 =	sgt.s32 @!p1 s19, $0x3;
	s21 =	sshra.s32 @!p1 s19, $0x1F  }
0x25: {  	s22 =	sshra.s32 @!p1 s18, $0x1F;
	p2 =	por !p2, p1;
	s19 =	sand.u32 @!p1 s21, s19  }
0x26: {  	s21 =	sshra.s32 @!p1 s17, $0x1F;
	s20 =	simm.s32 @p2 $0x3;
	p2 =	sgt.s32 @!p1 s17, $0xC7  }
0x27: {  	s19 =	ssub.s32 @!p1 s20, s19;
	p2 =	por !p2, p1;
	s20 =	smov.u32 s17  }
0x28: {  	s17 =	sand.u32 @!p1 s21, s17;
	s20 =	simm.s32 @p2 $0xC7;
	p2 =	sgt.s32 @!p1 s18, $0x380  }
0x29: {  	s21 =	smov.u32 s18;
	s18 =	sand.u32 @!p1 s22, s18;
	p2 =	por !p2, p1  }
0x2a: {  	s17 =	ssub.s32 @!p1 s20, s17;
	s20 =	sadd.s32 @!p1 $0xFFFFFFFD, s19;
	s21 =	simm.s32 @p2 $0x380  }
0x2b: {  	s19 =	ssub.s32 @!p1 $0x4, s19;
	s18 =	ssub.s32 @!p1 s21, s18;
	s21 =	sadd.s32 @!p1 $0xFFFFFF39, s17  }
0x2c: {  	s19 =	smul.u32 @!p1 $0x3C, s19;
	p2 =	sgt.s32 @!p1 s21, $0x0;
	s21 =	sadd.s32 @!p1 $0xFFFFFC80, s18  }
0x2d: {  	s17 =	ssub.s32 @!p1 $0xC8, s17;
	p2 =	por !p2, p1;
	p3 =	sgt.s32 @!p1 s21, $0x7F  }
0x2e: {  	s18 =	ssub.s32 @!p1 $0x400, s18;
	s17 =	simm.s32 @!p2 $0x0;
	p2 =	por !p3, p1  }
0x2f: {  	s21 =	smov.u32 s14;
	p3 =	sgt.s32 @!p1 s20, $0x0;
	s18 =	simm.s32 @!p2 $0x0  }
0x30: {  	s20 =	sadd.s32 $0x1, s13;
	p2 =	por !p3, p1;
	s17 =	smul.u32 @!p1 s18, s17  }
0x31: {  	s19 =	simm.s32 @!p2 $0x0;
	p2 =	sgt.s32 s20, $0xC7;
	s18 =	sadd.s32 $0x4, s14  }
0x32: {  	p0 =	por !p0, !p0;
	s21 =	smov.u32 @p2 s18  }
0x33: {  	s22 =	smov.u32 s15;
	s18 =	sadd.s32 $0x400, s15;
	p3 =	sgt.s32 s21, $0x3  }
0x34: {  	s23 =	simm.s32 @!p1 $0x2;
	s20 =	simm.s32 @p2 $0x0;
	s22 =	smov.u32 @p3 s18  }
0x35: {  	s17 =	smul.u32 @!p1 s19, s17;
	s19 =	smov.u32 s11;
	p2 =	sgt.s32 s22, $0x3FF  }
0x36: {  	s11 =	smov.u32 s14;
	s22 =	smov.u32 @p2 s3;
	p2 =	sne.s32 s16, s8  }
.Ltmp1:
0x37: {  	s21 =	smov.u32 @p3 s7;
	s18 =	smov.u32 s12;
	(pc) =	sbr.rel @!p2 .LBB1_6-.Ltmp1, $4  }
0x38: {  	s12 =	smov.u32 s15;
	s17 =	sand.u32 @!p1 $0x3FFFFFFC, s17;
	s14 =	smov.u32 s21  }
0x39: {  	_ =	swait.ge @!p1 [sflag:s23], s17;
	s24 =	ssub.s32 @!p1 $0x0, s17;
	s17 =	smov.u32 s10  }
0x3a: {  	s16 =	sadd.s32 $0x1, s16;
	s10 =	smov.u32 s13;
	[sflag:s23] =	ssyncset.done @!p1 $0x0  }
0x3b: {  	s13 =	smov.u32 s20;
	s15 =	smov.u32 s22;
	[sflag:s23] =	ssyncadd.s32 @!p1 s24  }
.LBB1_1:
0x3c: {  	p1 =	sge.u32 s16, s6  }
0x3d: {  	s20 =	sand.u32 @!p1 $0x1FFFFFF, s13;
	s22 =	smul.u32 @!p1 $0x3200, s15  }
0x3e: {  	s21 =	smulhi.u32 @!p1 $0x147AE15, s20  }
0x3f: {  	s24 =	smul.u32 @!p1 $0xC80, s14  }
0x40: {  	s21 =	smul.u32 @!p1 $0xC8, s21  }
0x41: {  	s31 =	sadd.s32 $0xFFFFFFFF, s16;
	s22 =	sadd.s32 @!p1 s4, s22  }
0x42: {  	s23 =	sxor.u32 @!p1 $0xFFFFFFFF, s16;
	s22 =	sadd.s32 @!p1 s24, s22;
	s20 =	ssub.s32 @!p1 s20, s21  }
0x43: {  	s21 =	sshll.u32 @!p1 s23, $0xD;
	s23 =	simm.s32 @!p1 $0x19000;
	s20 =	sshll.u32 @!p1 s20, $0x4  }
0x44: {  	s21 =	sand.u32 @!p1 $0x2000, s21;
	s20 =	sadd.s32 @!p1 s20, s22;
	s22 =	simm.s32 @!p1 $0x40  }
0x45: {  	[tilespmem:s21], [sflag:$0x1] =	stream.strided.gather @!p1 [hbm4b:s20+s22], $0x2000, s23, s22, $0x38;
	[tilespmem:$0x8080] =	vst v63  }
0x46: {  	p1 =	sge.u32 s31, s6  }
.Ltmp2:
0x47: {  	_ = 	snop;
	(pc) =	sbr.rel @p1 .LBB1_5-.Ltmp2, $1  }
0x48: {  	_ =	sdelay $0x3  }
0x49: {  	s20 =	simm.s32 $0x1  }
0x4a: {  	_ =	swait.ge [sflag:s5], $0x2000;
	s20 =	simm.s32 @!p0 $0x0  }
0x4b: {  	[sflag:s5] =	ssyncset.done $0x0;
	s21 =	sshll.u32 s20, $0xD  }
0x4c: {  	[sflag:s5] =	ssyncadd.s32 $0xFFFFE000;
	s24 =	sor.u32 $0x20, s21  }
0x4d: {  	s20 =	smul.u32 $0x8100, s20;
	v3 =	vld [tilespmem:s24+$0x10]  }
0x4e: {  	s30 =	sand.u32 $0x1, s16;
	v2 =	vld [tilespmem:s24+$0xFFFFFFF0]  }
0x4f: {  	s21 =	smul.u32 $0x8100, s30;
	s20 =	sshrl.u32 s20, $0x2;
	v0 =	vld [tilespmem:s24+$0x0]  }
0x50: {  	v1 =	vld [tilespmem:s24+$0xFFFFFFE0];
	s22 =	sor.u32 $0x4000, s20  }
0x51: {  	s31 =	sshrl.u32 s21, $0x2;
	s21 =	sadd.s32 $0x0, s22  }
0x52: {  	s23 =	simm.s32 $0x4;
	s24 =	sadd.s32 $0x40, s24;
	s20 =	sor.u32 $0x4000, s31;
	[tilespmem:s21+$0x1830 ss:$0x81] =	vst.msk $0xffff, v3  }
.LBB1_3:
0x53: {  	v3 =	vld [tilespmem:s24+$0x10];
	p1 =	sne.s32 s23, $0x1FC;
	[tilespmem:s21+$0x810 ss:$0x81] =	vst.msk $0xffff, v2;
	s25 =	smov.u32 s23;
	s23 =	sadd.s32 $0x4, s23  }
.Ltmp3:
0x54: {  	v2 =	vld [tilespmem:s24+$0xFFFFFFF0];
	[tilespmem:s21+$0x1020 ss:$0x81] =	vst.msk $0xffff, v0;
	(pc) =	sbr.rel @p1 .LBB1_3-.Ltmp3, $4  }
0x55: {  	v0 =	vld [tilespmem:s24+$0x0];
	[tilespmem:s21+$0x0 ss:$0x81] =	vst.msk $0xffff, v1  }
0x56: {  	s21 =	sshra.s32 s25, $0x2;
	v1 =	vld [tilespmem:s24+$0xFFFFFFE0]  }
0x57: {  	s21 =	sadd.s32 s21, s22  }
0x58: {  	s24 =	sadd.s32 $0x40, s24;
	[tilespmem:s21+$0x1830 ss:$0x81] =	vst.msk $0xffff, v3  }
.Ltmp4:
0x59: {  	_ = 	snop;
	(pc) =	sbr.rel .LBB1_4-.Ltmp4, $1  }
0x5a: {  	_ =	sdelay $0x3  }
.LBB1_6:
0x5b: {  	_ =	sfence.sel $0x180000  }
0x5c: {  	s2 =	simm.s32 $0x1;
	[bflag:$0x0] =	sbarrier.arrive $0xFFFF  }
0x5d: {  	s31 =	simm.s32 $0x2;
	[sflag:s2] =	ssyncpa.u1 $0x1  }
0x5e: {  	[sflag:s31] =	ssyncpa.u1 $0x1  }
0x5f: {  	p0 =	sne.s32 s0, $0x0;
	_ =	strace $0x9000004A  }
0x60: {  	s0 =	sadd.s32 @!p0 $0x100000, s1;
	[bflag:$0x2] =	sbarrier.arrive $0xFFFF  }
0x61: {  	[sflag:s0] =	ssyncadd.tile.s32 @!p0 $0x1;
	_ =	shalt  }
.Lfunc_end1:
_tile_overlayer_lowered:
.L_overlay_start_2:
0x62: {  	(tag) =	ssettag $0x2  }
0x63: {  	s0 =	rddreg [dreg:$0x0];
	s2 =	stileid.u32  }
0x64: {  	s1 =	rddreg [dreg:$0x1];
	p0 =	sne.s32 s2, $0x0  }
0x65: {  	s3 =	rddreg [dreg:$0x2];
	[bflag:$0x3] =	sbarrier.arrive $0xFFFF;
	s2 =	simm.s32 @!p0 $0x1C01  }
0x66: {  	[timem:s3], [sflag:s2] =	dma.local @!p0 [hbm:s0], s1  }
0x67: {  	s0 =	simm.s32 @!p0 $0x1  }
0x68: {  	_ =	swait.ge @!p0 [sflag:s0], s1  }
0x69: {  	s1 =	ssub.s32 @!p0 $0x0, s1;
	[sflag:s0] =	ssyncset.done @!p0 $0x0  }
0x6a: {  	[sflag:s0] =	ssyncadd.s32 @!p0 s1  }
0x6b: {  	[bflag:$0x3] =	sbarrier.arrive $0xFFFF  }
0x6c: {  	_ =	shalt  }

</sc_bundles>
